<compile_context>
chip_gen: v7x
topology: tpu7x:2x2x1
jax: 0.10.2.dev20260603
libtpu: 0.0.44.dev20260713+nightly
codegen_flags: <defaults>
</compile_context>

<pallas_src>
import functools

import jax
import jax.numpy as jnp
from jax import lax
from jax.experimental import pallas as pl
from jax.experimental.pallas import tpu as pltpu
from jax.experimental.pallas import tpu_sc as plsc

VOCAB = 13
EMBED_DIM = 1024
BATCH = 4
SEQ = 8192

_B = BATCH * SEQ
_NW = 32
_BPW = _B // _NW
_C = 32
_NCH = _BPW // _C
_VPAD = 16
_L = 16

_mesh = plsc.VectorSubcoreMesh(core_axis_name="c", subcore_axis_name="s")


@functools.partial(
    pl.kernel,
    mesh=_mesh,
    out_type=jax.ShapeDtypeStruct((_B, EMBED_DIM), jnp.float32),
    scratch_types=[
        pltpu.VMEM((_BPW,), jnp.int32),
        pltpu.VMEM((_C, EMBED_DIM), jnp.float32),
        pltpu.VMEM((_C, EMBED_DIM), jnp.float32),
        pltpu.VMEM((_C, EMBED_DIM), jnp.float32),
        pltpu.SemaphoreType.DMA,
        pltpu.SemaphoreType.DMA,
        pltpu.SemaphoreType.DMA,
        pltpu.SemaphoreType.DMA,
        pltpu.SemaphoreType.DMA,
        pltpu.SemaphoreType.DMA,
    ],
    compiler_params=pltpu.CompilerParams(needs_layout_passes=False),
)
def _emb(x_hbm, table_hbm, out_hbm, idx_v, rows0, rows1, rows2,
         gsem0, gsem1, gsem2, ssem0, ssem1, ssem2):
    wid = lax.axis_index("s") * 2 + lax.axis_index("c")
    base = wid * _BPW

    pltpu.sync_copy(x_hbm.at[pl.ds(base, _BPW)], idx_v)

    woff = jnp.full((_L,), wid * _VPAD, jnp.int32)
    for k in range(_BPW // _L):
        sl = pl.ds(k * _L, _L)
        idx_v[sl] = idx_v[sl] + woff

    rows = (rows0, rows1, rows2)
    gsem = (gsem0, gsem1, gsem2)
    ssem = (ssem0, ssem1, ssem2)

    def g_start(b, j):
        pltpu.async_copy(table_hbm.at[idx_v.at[pl.ds(j * _C, _C)]],
                         rows[b], gsem[b])

    def g_wait(b, j):
        pltpu.make_async_copy(table_hbm.at[idx_v.at[pl.ds(j * _C, _C)]],
                              rows[b], gsem[b]).wait()

    def s_start(b, j):
        pltpu.async_copy(rows[b], out_hbm.at[pl.ds(base + j * _C, _C)],
                         ssem[b])

    def s_wait(b, j):
        pltpu.make_async_copy(rows[b], out_hbm.at[pl.ds(base + j * _C, _C)],
                              ssem[b]).wait()

    def step(b, j):
        g_wait(b, j)
        s_start(b, j)
        b2 = (b + 2) % 3
        s_wait(b2, j - 1)
        g_start(b2, j + 2)

    g_start(0, 0)
    g_start(1, 1)
    g_wait(0, 0)
    s_start(0, 0)
    g_start(2, 2)

    def body(t, carry):
        for db in (1, 2, 3):
            step(db % 3, 3 * t + db)
        return carry

    lax.fori_loop(0, (_NCH - 5) // 3, body, 0)

    step(1, _NCH - 4)
    step(2, _NCH - 3)
    g_wait(0, _NCH - 2)
    s_start(0, _NCH - 2)
    g_wait(1, _NCH - 1)
    s_start(1, _NCH - 1)
    s_wait(2, _NCH - 3)
    s_wait(0, _NCH - 2)
    s_wait(1, _NCH - 1)


def kernel(x, table):
    table_padded = jnp.pad(table, ((0, _VPAD - VOCAB), (0, 0)))
    table_rep = jnp.tile(table_padded, (_NW, 1))
    out = _emb(x.reshape(_B).astype(jnp.int32), table_rep)
    return out.reshape(BATCH, SEQ, EMBED_DIM)

# --- scband reference (transcript-rebuilt; emitter-appended) ---
"""Pipeline reference for scband-decoder-embedding-80711025426489 (READ-ONLY COPY).

The authoritative reference and input builder live on the scoring server;
editing this copy changes nothing except your own understanding.
"""

import jax, jax.numpy as jnp
import numpy as np

VOCAB = 13
EMBED_DIM = 1024
BATCH = 4
SEQ = 8192

def setup_inputs(seed: int = 0) -> dict:
    key = jax.random.key(seed)
    k1, k2 = jax.random.split(key)
    x = jax.random.randint(k1, (BATCH, SEQ), 0, VOCAB, dtype=jnp.int64) if jax.config.jax_enable_x64 else jax.random.randint(k1, (BATCH, SEQ), 0, VOCAB, dtype=jnp.int32)
    table = jax.random.normal(k2, (VOCAB, EMBED_DIM), dtype=jnp.float32)
    return {"x": x, "table": table}

def reference(x, table):
    # Faithful translation of nn.Embedding lookup: token_embedding(x)
    return jnp.take(table, x, axis=0)

if __name__ == "__main__":
    import jax
    _d = setup_inputs()
    print(jax.jit(kernel)(*tuple(_d.values())))

</pallas_src>

<mosaic_0001>
#map = affine_map<(d0, d1) -> (0)>
#map1 = affine_map<(d0, d1) -> (0, 0)>
module attributes {stable_mosaic.version = 14 : i64} {
  func.func @_emb(%arg0: i32, %arg1: i32, %arg2: memref<32768xi32, #tpu.memory_space<hbm>>, %arg3: memref<512x1024xf32, #tpu.memory_space<hbm>>, %arg4: memref<32768x1024xf32, #tpu.memory_space<hbm>>, %arg5: memref<1024xi32, #tpu.memory_space<vmem>>, %arg6: memref<32x1024xf32, #tpu.memory_space<vmem>>, %arg7: memref<32x1024xf32, #tpu.memory_space<vmem>>, %arg8: memref<32x1024xf32, #tpu.memory_space<vmem>>, %arg9: memref<!tpu.dma_semaphore, #tpu.memory_space<semaphore_mem>>, %arg10: memref<!tpu.dma_semaphore, #tpu.memory_space<semaphore_mem>>, %arg11: memref<!tpu.dma_semaphore, #tpu.memory_space<semaphore_mem>>, %arg12: memref<!tpu.dma_semaphore, #tpu.memory_space<semaphore_mem>>, %arg13: memref<!tpu.dma_semaphore, #tpu.memory_space<semaphore_mem>>, %arg14: memref<!tpu.dma_semaphore, #tpu.memory_space<semaphore_mem>>) attributes {dimension_semantics = [#tpu.dimension_semantics<core_parallel>, #tpu.dimension_semantics<subcore_parallel>], iteration_bounds = array<i64: 2, 16>, scalar_prefetch = 0 : i64, scratch_operands = 10 : i64, tpu.core_type = #tpu.core_type<sc_vector_subcore>, window_params = [{transform_indices = #map}, {transform_indices = #map1}, {transform_indices = #map1}]} {
    %mul3A = arith.constant 2 : i32
    %mul3A_0 = arith.muli %arg1, %mul3A : i32
    %add3A = arith.addi %mul3A_0, %arg0 : i32
    %mul3A_1 = arith.constant 1024 : i32
    %mul3A_2 = arith.muli %add3A, %mul3A_1 : i32
    "tpu.region"() ({
      %run_scoped3A = tpu.sem_alloc : memref<!tpu.dma_semaphore, #tpu.memory_space<semaphore_mem>>
      %dma_start3A_436 = tpu.memref_slice %arg2[%mul3A_2] : memref<32768xi32, #tpu.memory_space<hbm>> -> memref<1024xi32, #tpu.memory_space<hbm>>
      %dma_start3A_437 = tpu.memref_slice %arg2[%mul3A_2] : memref<32768xi32, #tpu.memory_space<hbm>> -> memref<1024xi32, #tpu.memory_space<hbm>>
      tpu.enqueue_dma source(%dma_start3A_437 : memref<1024xi32, #tpu.memory_space<hbm>>) target(%arg5 : memref<1024xi32, #tpu.memory_space<vmem>>) target_semaphore(%run_scoped3A : memref<!tpu.dma_semaphore, #tpu.memory_space<semaphore_mem>>)
      %dma_wait3A_438 = tpu.memref_slice %arg2[%mul3A_2] : memref<32768xi32, #tpu.memory_space<hbm>> -> memref<1024xi32, #tpu.memory_space<hbm>>
      %dma_wait3A_439 = tpu.memref_slice %arg2[%mul3A_2] : memref<32768xi32, #tpu.memory_space<hbm>> -> memref<1024xi32, #tpu.memory_space<hbm>>
      tpu.wait_dma2 semaphore(%run_scoped3A : memref<!tpu.dma_semaphore, #tpu.memory_space<semaphore_mem>>) src(%dma_wait3A_439 : memref<1024xi32, #tpu.memory_space<hbm>>) dst(%arg5 : memref<1024xi32, #tpu.memory_space<vmem>>)
      tpu.yield
    }) : () -> ()
    %mul3A_3 = arith.constant 16 : i32
    %mul3A_4 = arith.muli %add3A, %mul3A_3 : i32
    %broadcast_in_dim3A = vector.broadcast %mul3A_4 : i32 to vector<16xi32>
    %get3A = arith.constant 0 : index
    %get3A_5 = tpu.vector_load %arg5[%get3A] {strides = array<i32>} : memref<1024xi32, #tpu.memory_space<vmem>>, vector<16xi32>,
    %add3A_6 = arith.addi %get3A_5, %broadcast_in_dim3A : vector<16xi32>
    %swap3A = arith.constant 0 : index
    %swap3A_7 = tpu.vector_load %arg5[%swap3A] {strides = array<i32>} : memref<1024xi32, #tpu.memory_space<vmem>>, vector<16xi32>,
    tpu.vector_store %arg5[%swap3A], %add3A_6 {strides = array<i32>} : memref<1024xi32, #tpu.memory_space<vmem>>, vector<16xi32>,
    %get3A_8 = arith.constant 16 : index
    %get3A_9 = tpu.vector_load %arg5[%get3A_8] {strides = array<i32>} : memref<1024xi32, #tpu.memory_space<vmem>>, vector<16xi32>,
    %add3A_10 = arith.addi %get3A_9, %broadcast_in_dim3A : vector<16xi32>
    %swap3A_11 = arith.constant 16 : index
    %swap3A_12 = tpu.vector_load %arg5[%swap3A_11] {strides = array<i32>} : memref<1024xi32, #tpu.memory_space<vmem>>, vector<16xi32>,
    tpu.vector_store %arg5[%swap3A_11], %add3A_10 {strides = array<i32>} : memref<1024xi32, #tpu.memory_space<vmem>>, vector<16xi32>,
    %get3A_13 = arith.constant 32 : index
    %get3A_14 = tpu.vector_load %arg5[%get3A_13] {strides = array<i32>} : memref<1024xi32, #tpu.memory_space<vmem>>, vector<16xi32>,
    %add3A_15 = arith.addi %get3A_14, %broadcast_in_dim3A : vector<16xi32>
    %swap3A_16 = arith.constant 32 : index
    %swap3A_17 = tpu.vector_load %arg5[%swap3A_16] {strides = array<i32>} : memref<1024xi32, #tpu.memory_space<vmem>>, vector<16xi32>,
    tpu.vector_store %arg5[%swap3A_16], %add3A_15 {strides = array<i32>} : memref<1024xi32, #tpu.memory_space<vmem>>, vector<16xi32>,
    %get3A_18 = arith.constant 48 : index
    %get3A_19 = tpu.vector_load %arg5[%get3A_18] {strides = array<i32>} : memref<1024xi32, #tpu.memory_space<vmem>>, vector<16xi32>,
    %add3A_20 = arith.addi %get3A_19, %broadcast_in_dim3A : vector<16xi32>
    %swap3A_21 = arith.constant 48 : index
    %swap3A_22 = tpu.vector_load %arg5[%swap3A_21] {strides = array<i32>} : memref<1024xi32, #tpu.memory_space<vmem>>, vector<16xi32>,
    tpu.vector_store %arg5[%swap3A_21], %add3A_20 {strides = array<i32>} : memref<1024xi32, #tpu.memory_space<vmem>>, vector<16xi32>,
    %get3A_23 = arith.constant 64 : index
    %get3A_24 = tpu.vector_load %arg5[%get3A_23] {strides = array<i32>} : memref<1024xi32, #tpu.memory_space<vmem>>, vector<16xi32>,
    %add3A_25 = arith.addi %get3A_24, %broadcast_in_dim3A : vector<16xi32>
    %swap3A_26 = arith.constant 64 : index
    %swap3A_27 = tpu.vector_load %arg5[%swap3A_26] {strides = array<i32>} : memref<1024xi32, #tpu.memory_space<vmem>>, vector<16xi32>,
    tpu.vector_store %arg5[%swap3A_26], %add3A_25 {strides = array<i32>} : memref<1024xi32, #tpu.memory_space<vmem>>, vector<16xi32>,
    %get3A_28 = arith.constant 80 : index
    %get3A_29 = tpu.vector_load %arg5[%get3A_28] {strides = array<i32>} : memref<1024xi32, #tpu.memory_space<vmem>>, vector<16xi32>,
    %add3A_30 = arith.addi %get3A_29, %broadcast_in_dim3A : vector<16xi32>
    %swap3A_31 = arith.constant 80 : index
    %swap3A_32 = tpu.vector_load %arg5[%swap3A_31] {strides = array<i32>} : memref<1024xi32, #tpu.memory_space<vmem>>, vector<16xi32>,
    tpu.vector_store %arg5[%swap3A_31], %add3A_30 {strides = array<i32>} : memref<1024xi32, #tpu.memory_space<vmem>>, vector<16xi32>,
    %get3A_33 = arith.constant 96 : index
    %get3A_34 = tpu.vector_load %arg5[%get3A_33] {strides = array<i32>} : memref<1024xi32, #tpu.memory_space<vmem>>, vector<16xi32>,
    %add3A_35 = arith.addi %get3A_34, %broadcast_in_dim3A : vector<16xi32>
    %swap3A_36 = arith.constant 96 : index
    %swap3A_37 = tpu.vector_load %arg5[%swap3A_36] {strides = array<i32>} : memref<1024xi32, #tpu.memory_space<vmem>>, vector<16xi32>,
    tpu.vector_store %arg5[%swap3A_36], %add3A_35 {strides = array<i32>} : memref<1024xi32, #tpu.memory_space<vmem>>, vector<16xi32>,
    %get3A_38 = arith.constant 112 : index
    %get3A_39 = tpu.vector_load %arg5[%get3A_38] {strides = array<i32>} : memref<1024xi32, #tpu.memory_space<vmem>>, vector<16xi32>,
    %add3A_40 = arith.addi %get3A_39, %broadcast_in_dim3A : vector<16xi32>
    %swap3A_41 = arith.constant 112 : index
    %swap3A_42 = tpu.vector_load %arg5[%swap3A_41] {strides = array<i32>} : memref<1024xi32, #tpu.memory_space<vmem>>, vector<16xi32>,
    tpu.vector_store %arg5[%swap3A_41], %add3A_40 {strides = array<i32>} : memref<1024xi32, #tpu.memory_space<vmem>>, vector<16xi32>,
    %get3A_43 = arith.constant 128 : index
    %get3A_44 = tpu.vector_load %arg5[%get3A_43] {strides = array<i32>} : memref<1024xi32, #tpu.memory_space<vmem>>, vector<16xi32>,
    %add3A_45 = arith.addi %get3A_44, %broadcast_in_dim3A : vector<16xi32>
    %swap3A_46 = arith.constant 128 : index
    %swap3A_47 = tpu.vector_load %arg5[%swap3A_46] {strides = array<i32>} : memref<1024xi32, #tpu.memory_space<vmem>>, vector<16xi32>,
    tpu.vector_store %arg5[%swap3A_46], %add3A_45 {strides = array<i32>} : memref<1024xi32, #tpu.memory_space<vmem>>, vector<16xi32>,
    %get3A_48 = arith.constant 144 : index
    %get3A_49 = tpu.vector_load %arg5[%get3A_48] {strides = array<i32>} : memref<1024xi32, #tpu.memory_space<vmem>>, vector<16xi32>,
    %add3A_50 = arith.addi %get3A_49, %broadcast_in_dim3A : vector<16xi32>
    %swap3A_51 = arith.constant 144 : index
    %swap3A_52 = tpu.vector_load %arg5[%swap3A_51] {strides = array<i32>} : memref<1024xi32, #tpu.memory_space<vmem>>, vector<16xi32>,
    tpu.vector_store %arg5[%swap3A_51], %add3A_50 {strides = array<i32>} : memref<1024xi32, #tpu.memory_space<vmem>>, vector<16xi32>,
    %get3A_53 = arith.constant 160 : index
    %get3A_54 = tpu.vector_load %arg5[%get3A_53] {strides = array<i32>} : memref<1024xi32, #tpu.memory_space<vmem>>, vector<16xi32>,
    %add3A_55 = arith.addi %get3A_54, %broadcast_in_dim3A : vector<16xi32>
    %swap3A_56 = arith.constant 160 : index
    %swap3A_57 = tpu.vector_load %arg5[%swap3A_56] {strides = array<i32>} : memref<1024xi32, #tpu.memory_space<vmem>>, vector<16xi32>,
    tpu.vector_store %arg5[%swap3A_56], %add3A_55 {strides = array<i32>} : memref<1024xi32, #tpu.memory_space<vmem>>, vector<16xi32>,
    %get3A_58 = arith.constant 176 : index
    %get3A_59 = tpu.vector_load %arg5[%get3A_58] {strides = array<i32>} : memref<1024xi32, #tpu.memory_space<vmem>>, vector<16xi32>,
    %add3A_60 = arith.addi %get3A_59, %broadcast_in_dim3A : vector<16xi32>
    %swap3A_61 = arith.constant 176 : index
    %swap3A_62 = tpu.vector_load %arg5[%swap3A_61] {strides = array<i32>} : memref<1024xi32, #tpu.memory_space<vmem>>, vector<16xi32>,
    tpu.vector_store %arg5[%swap3A_61], %add3A_60 {strides = array<i32>} : memref<1024xi32, #tpu.memory_space<vmem>>, vector<16xi32>,
    %get3A_63 = arith.constant 192 : index
    %get3A_64 = tpu.vector_load %arg5[%get3A_63] {strides = array<i32>} : memref<1024xi32, #tpu.memory_space<vmem>>, vector<16xi32>,
    %add3A_65 = arith.addi %get3A_64, %broadcast_in_dim3A : vector<16xi32>
    %swap3A_66 = arith.constant 192 : index
    %swap3A_67 = tpu.vector_load %arg5[%swap3A_66] {strides = array<i32>} : memref<1024xi32, #tpu.memory_space<vmem>>, vector<16xi32>,
    tpu.vector_store %arg5[%swap3A_66], %add3A_65 {strides = array<i32>} : memref<1024xi32, #tpu.memory_space<vmem>>, vector<16xi32>,
    %get3A_68 = arith.constant 208 : index
    %get3A_69 = tpu.vector_load %arg5[%get3A_68] {strides = array<i32>} : memref<1024xi32, #tpu.memory_space<vmem>>, vector<16xi32>,
    %add3A_70 = arith.addi %get3A_69, %broadcast_in_dim3A : vector<16xi32>
    %swap3A_71 = arith.constant 208 : index
    %swap3A_72 = tpu.vector_load %arg5[%swap3A_71] {strides = array<i32>} : memref<1024xi32, #tpu.memory_space<vmem>>, vector<16xi32>,
    tpu.vector_store %arg5[%swap3A_71], %add3A_70 {strides = array<i32>} : memref<1024xi32, #tpu.memory_space<vmem>>, vector<16xi32>,
    %get3A_73 = arith.constant 224 : index
    %get3A_74 = tpu.vector_load %arg5[%get3A_73] {strides = array<i32>} : memref<1024xi32, #tpu.memory_space<vmem>>, vector<16xi32>,
    %add3A_75 = arith.addi %get3A_74, %broadcast_in_dim3A : vector<16xi32>
    %swap3A_76 = arith.constant 224 : index
    %swap3A_77 = tpu.vector_load %arg5[%swap3A_76] {strides = array<i32>} : memref<1024xi32, #tpu.memory_space<vmem>>, vector<16xi32>,
    tpu.vector_store %arg5[%swap3A_76], %add3A_75 {strides = array<i32>} : memref<1024xi32, #tpu.memory_space<vmem>>, vector<16xi32>,
    %get3A_78 = arith.constant 240 : index
    %get3A_79 = tpu.vector_load %arg5[%get3A_78] {strides = array<i32>} : memref<1024xi32, #tpu.memory_space<vmem>>, vector<16xi32>,
    %add3A_80 = arith.addi %get3A_79, %broadcast_in_dim3A : vector<16xi32>
    %swap3A_81 = arith.constant 240 : index
    %swap3A_82 = tpu.vector_load %arg5[%swap3A_81] {strides = array<i32>} : memref<1024xi32, #tpu.memory_space<vmem>>, vector<16xi32>,
    tpu.vector_store %arg5[%swap3A_81], %add3A_80 {strides = array<i32>} : memref<1024xi32, #tpu.memory_space<vmem>>, vector<16xi32>,
    %get3A_83 = arith.constant 256 : index
    %get3A_84 = tpu.vector_load %arg5[%get3A_83] {strides = array<i32>} : memref<1024xi32, #tpu.memory_space<vmem>>, vector<16xi32>,
    %add3A_85 = arith.addi %get3A_84, %broadcast_in_dim3A : vector<16xi32>
    %swap3A_86 = arith.constant 256 : index
    %swap3A_87 = tpu.vector_load %arg5[%swap3A_86] {strides = array<i32>} : memref<1024xi32, #tpu.memory_space<vmem>>, vector<16xi32>,
    tpu.vector_store %arg5[%swap3A_86], %add3A_85 {strides = array<i32>} : memref<1024xi32, #tpu.memory_space<vmem>>, vector<16xi32>,
    %get3A_88 = arith.constant 272 : index
    %get3A_89 = tpu.vector_load %arg5[%get3A_88] {strides = array<i32>} : memref<1024xi32, #tpu.memory_space<vmem>>, vector<16xi32>,
    %add3A_90 = arith.addi %get3A_89, %broadcast_in_dim3A : vector<16xi32>
    %swap3A_91 = arith.constant 272 : index
    %swap3A_92 = tpu.vector_load %arg5[%swap3A_91] {strides = array<i32>} : memref<1024xi32, #tpu.memory_space<vmem>>, vector<16xi32>,
    tpu.vector_store %arg5[%swap3A_91], %add3A_90 {strides = array<i32>} : memref<1024xi32, #tpu.memory_space<vmem>>, vector<16xi32>,
    %get3A_93 = arith.constant 288 : index
    %get3A_94 = tpu.vector_load %arg5[%get3A_93] {strides = array<i32>} : memref<1024xi32, #tpu.memory_space<vmem>>, vector<16xi32>,
    %add3A_95 = arith.addi %get3A_94, %broadcast_in_dim3A : vector<16xi32>
    %swap3A_96 = arith.constant 288 : index
    %swap3A_97 = tpu.vector_load %arg5[%swap3A_96] {strides = array<i32>} : memref<1024xi32, #tpu.memory_space<vmem>>, vector<16xi32>,
    tpu.vector_store %arg5[%swap3A_96], %add3A_95 {strides = array<i32>} : memref<1024xi32, #tpu.memory_space<vmem>>, vector<16xi32>,
    %get3A_98 = arith.constant 304 : index
    %get3A_99 = tpu.vector_load %arg5[%get3A_98] {strides = array<i32>} : memref<1024xi32, #tpu.memory_space<vmem>>, vector<16xi32>,
    %add3A_100 = arith.addi %get3A_99, %broadcast_in_dim3A : vector<16xi32>
    %swap3A_101 = arith.constant 304 : index
    %swap3A_102 = tpu.vector_load %arg5[%swap3A_101] {strides = array<i32>} : memref<1024xi32, #tpu.memory_space<vmem>>, vector<16xi32>,
    tpu.vector_store %arg5[%swap3A_101], %add3A_100 {strides = array<i32>} : memref<1024xi32, #tpu.memory_space<vmem>>, vector<16xi32>,
    %get3A_103 = arith.constant 320 : index
    %get3A_104 = tpu.vector_load %arg5[%get3A_103] {strides = array<i32>} : memref<1024xi32, #tpu.memory_space<vmem>>, vector<16xi32>,
    %add3A_105 = arith.addi %get3A_104, %broadcast_in_dim3A : vector<16xi32>
    %swap3A_106 = arith.constant 320 : index
    %swap3A_107 = tpu.vector_load %arg5[%swap3A_106] {strides = array<i32>} : memref<1024xi32, #tpu.memory_space<vmem>>, vector<16xi32>,
    tpu.vector_store %arg5[%swap3A_106], %add3A_105 {strides = array<i32>} : memref<1024xi32, #tpu.memory_space<vmem>>, vector<16xi32>,
    %get3A_108 = arith.constant 336 : index
    %get3A_109 = tpu.vector_load %arg5[%get3A_108] {strides = array<i32>} : memref<1024xi32, #tpu.memory_space<vmem>>, vector<16xi32>,
    %add3A_110 = arith.addi %get3A_109, %broadcast_in_dim3A : vector<16xi32>
    %swap3A_111 = arith.constant 336 : index
    %swap3A_112 = tpu.vector_load %arg5[%swap3A_111] {strides = array<i32>} : memref<1024xi32, #tpu.memory_space<vmem>>, vector<16xi32>,
    tpu.vector_store %arg5[%swap3A_111], %add3A_110 {strides = array<i32>} : memref<1024xi32, #tpu.memory_space<vmem>>, vector<16xi32>,
    %get3A_113 = arith.constant 352 : index
    %get3A_114 = tpu.vector_load %arg5[%get3A_113] {strides = array<i32>} : memref<1024xi32, #tpu.memory_space<vmem>>, vector<16xi32>,
    %add3A_115 = arith.addi %get3A_114, %broadcast_in_dim3A : vector<16xi32>
    %swap3A_116 = arith.constant 352 : index
    %swap3A_117 = tpu.vector_load %arg5[%swap3A_116] {strides = array<i32>} : memref<1024xi32, #tpu.memory_space<vmem>>, vector<16xi32>,
    tpu.vector_store %arg5[%swap3A_116], %add3A_115 {strides = array<i32>} : memref<1024xi32, #tpu.memory_space<vmem>>, vector<16xi32>,
    %get3A_118 = arith.constant 368 : index
    %get3A_119 = tpu.vector_load %arg5[%get3A_118] {strides = array<i32>} : memref<1024xi32, #tpu.memory_space<vmem>>, vector<16xi32>,
    %add3A_120 = arith.addi %get3A_119, %broadcast_in_dim3A : vector<16xi32>
    %swap3A_121 = arith.constant 368 : index
    %swap3A_122 = tpu.vector_load %arg5[%swap3A_121] {strides = array<i32>} : memref<1024xi32, #tpu.memory_space<vmem>>, vector<16xi32>,
    tpu.vector_store %arg5[%swap3A_121], %add3A_120 {strides = array<i32>} : memref<1024xi32, #tpu.memory_space<vmem>>, vector<16xi32>,
    %get3A_123 = arith.constant 384 : index
    %get3A_124 = tpu.vector_load %arg5[%get3A_123] {strides = array<i32>} : memref<1024xi32, #tpu.memory_space<vmem>>, vector<16xi32>,
    %add3A_125 = arith.addi %get3A_124, %broadcast_in_dim3A : vector<16xi32>
    %swap3A_126 = arith.constant 384 : index
    %swap3A_127 = tpu.vector_load %arg5[%swap3A_126] {strides = array<i32>} : memref<1024xi32, #tpu.memory_space<vmem>>, vector<16xi32>,
    tpu.vector_store %arg5[%swap3A_126], %add3A_125 {strides = array<i32>} : memref<1024xi32, #tpu.memory_space<vmem>>, vector<16xi32>,
    %get3A_128 = arith.constant 400 : index
    %get3A_129 = tpu.vector_load %arg5[%get3A_128] {strides = array<i32>} : memref<1024xi32, #tpu.memory_space<vmem>>, vector<16xi32>,
    %add3A_130 = arith.addi %get3A_129, %broadcast_in_dim3A : vector<16xi32>
    %swap3A_131 = arith.constant 400 : index
    %swap3A_132 = tpu.vector_load %arg5[%swap3A_131] {strides = array<i32>} : memref<1024xi32, #tpu.memory_space<vmem>>, vector<16xi32>,
    tpu.vector_store %arg5[%swap3A_131], %add3A_130 {strides = array<i32>} : memref<1024xi32, #tpu.memory_space<vmem>>, vector<16xi32>,
    %get3A_133 = arith.constant 416 : index
    %get3A_134 = tpu.vector_load %arg5[%get3A_133] {strides = array<i32>} : memref<1024xi32, #tpu.memory_space<vmem>>, vector<16xi32>,
    %add3A_135 = arith.addi %get3A_134, %broadcast_in_dim3A : vector<16xi32>
    %swap3A_136 = arith.constant 416 : index
    %swap3A_137 = tpu.vector_load %arg5[%swap3A_136] {strides = array<i32>} : memref<1024xi32, #tpu.memory_space<vmem>>, vector<16xi32>,
    tpu.vector_store %arg5[%swap3A_136], %add3A_135 {strides = array<i32>} : memref<1024xi32, #tpu.memory_space<vmem>>, vector<16xi32>,
    %get3A_138 = arith.constant 432 : index
    %get3A_139 = tpu.vector_load %arg5[%get3A_138] {strides = array<i32>} : memref<1024xi32, #tpu.memory_space<vmem>>, vector<16xi32>,
    %add3A_140 = arith.addi %get3A_139, %broadcast_in_dim3A : vector<16xi32>
    %swap3A_141 = arith.constant 432 : index
    %swap3A_142 = tpu.vector_load %arg5[%swap3A_141] {strides = array<i32>} : memref<1024xi32, #tpu.memory_space<vmem>>, vector<16xi32>,
    tpu.vector_store %arg5[%swap3A_141], %add3A_140 {strides = array<i32>} : memref<1024xi32, #tpu.memory_space<vmem>>, vector<16xi32>,
    %get3A_143 = arith.constant 448 : index
    %get3A_144 = tpu.vector_load %arg5[%get3A_143] {strides = array<i32>} : memref<1024xi32, #tpu.memory_space<vmem>>, vector<16xi32>,
    %add3A_145 = arith.addi %get3A_144, %broadcast_in_dim3A : vector<16xi32>
    %swap3A_146 = arith.constant 448 : index
    %swap3A_147 = tpu.vector_load %arg5[%swap3A_146] {strides = array<i32>} : memref<1024xi32, #tpu.memory_space<vmem>>, vector<16xi32>,
    tpu.vector_store %arg5[%swap3A_146], %add3A_145 {strides = array<i32>} : memref<1024xi32, #tpu.memory_space<vmem>>, vector<16xi32>,
    %get3A_148 = arith.constant 464 : index
    %get3A_149 = tpu.vector_load %arg5[%get3A_148] {strides = array<i32>} : memref<1024xi32, #tpu.memory_space<vmem>>, vector<16xi32>,
    %add3A_150 = arith.addi %get3A_149, %broadcast_in_dim3A : vector<16xi32>
    %swap3A_151 = arith.constant 464 : index
    %swap3A_152 = tpu.vector_load %arg5[%swap3A_151] {strides = array<i32>} : memref<1024xi32, #tpu.memory_space<vmem>>, vector<16xi32>,
    tpu.vector_store %arg5[%swap3A_151], %add3A_150 {strides = array<i32>} : memref<1024xi32, #tpu.memory_space<vmem>>, vector<16xi32>,
    %get3A_153 = arith.constant 480 : index
    %get3A_154 = tpu.vector_load %arg5[%get3A_153] {strides = array<i32>} : memref<1024xi32, #tpu.memory_space<vmem>>, vector<16xi32>,
    %add3A_155 = arith.addi %get3A_154, %broadcast_in_dim3A : vector<16xi32>
    %swap3A_156 = arith.constant 480 : index
    %swap3A_157 = tpu.vector_load %arg5[%swap3A_156] {strides = array<i32>} : memref<1024xi32, #tpu.memory_space<vmem>>, vector<16xi32>,
    tpu.vector_store %arg5[%swap3A_156], %add3A_155 {strides = array<i32>} : memref<1024xi32, #tpu.memory_space<vmem>>, vector<16xi32>,
    %get3A_158 = arith.constant 496 : index
    %get3A_159 = tpu.vector_load %arg5[%get3A_158] {strides = array<i32>} : memref<1024xi32, #tpu.memory_space<vmem>>, vector<16xi32>,
    %add3A_160 = arith.addi %get3A_159, %broadcast_in_dim3A : vector<16xi32>
    %swap3A_161 = arith.constant 496 : index
    %swap3A_162 = tpu.vector_load %arg5[%swap3A_161] {strides = array<i32>} : memref<1024xi32, #tpu.memory_space<vmem>>, vector<16xi32>,
    tpu.vector_store %arg5[%swap3A_161], %add3A_160 {strides = array<i32>} : memref<1024xi32, #tpu.memory_space<vmem>>, vector<16xi32>,
    %get3A_163 = arith.constant 512 : index
    %get3A_164 = tpu.vector_load %arg5[%get3A_163] {strides = array<i32>} : memref<1024xi32, #tpu.memory_space<vmem>>, vector<16xi32>,
    %add3A_165 = arith.addi %get3A_164, %broadcast_in_dim3A : vector<16xi32>
    %swap3A_166 = arith.constant 512 : index
    %swap3A_167 = tpu.vector_load %arg5[%swap3A_166] {strides = array<i32>} : memref<1024xi32, #tpu.memory_space<vmem>>, vector<16xi32>,
    tpu.vector_store %arg5[%swap3A_166], %add3A_165 {strides = array<i32>} : memref<1024xi32, #tpu.memory_space<vmem>>, vector<16xi32>,
    %get3A_168 = arith.constant 528 : index
    %get3A_169 = tpu.vector_load %arg5[%get3A_168] {strides = array<i32>} : memref<1024xi32, #tpu.memory_space<vmem>>, vector<16xi32>,
    %add3A_170 = arith.addi %get3A_169, %broadcast_in_dim3A : vector<16xi32>
    %swap3A_171 = arith.constant 528 : index
    %swap3A_172 = tpu.vector_load %arg5[%swap3A_171] {strides = array<i32>} : memref<1024xi32, #tpu.memory_space<vmem>>, vector<16xi32>,
    tpu.vector_store %arg5[%swap3A_171], %add3A_170 {strides = array<i32>} : memref<1024xi32, #tpu.memory_space<vmem>>, vector<16xi32>,
    %get3A_173 = arith.constant 544 : index
    %get3A_174 = tpu.vector_load %arg5[%get3A_173] {strides = array<i32>} : memref<1024xi32, #tpu.memory_space<vmem>>, vector<16xi32>,
    %add3A_175 = arith.addi %get3A_174, %broadcast_in_dim3A : vector<16xi32>
    %swap3A_176 = arith.constant 544 : index
    %swap3A_177 = tpu.vector_load %arg5[%swap3A_176] {strides = array<i32>} : memref<1024xi32, #tpu.memory_space<vmem>>, vector<16xi32>,
    tpu.vector_store %arg5[%swap3A_176], %add3A_175 {strides = array<i32>} : memref<1024xi32, #tpu.memory_space<vmem>>, vector<16xi32>,
    %get3A_178 = arith.constant 560 : index
    %get3A_179 = tpu.vector_load %arg5[%get3A_178] {strides = array<i32>} : memref<1024xi32, #tpu.memory_space<vmem>>, vector<16xi32>,
    %add3A_180 = arith.addi %get3A_179, %broadcast_in_dim3A : vector<16xi32>
    %swap3A_181 = arith.constant 560 : index
    %swap3A_182 = tpu.vector_load %arg5[%swap3A_181] {strides = array<i32>} : memref<1024xi32, #tpu.memory_space<vmem>>, vector<16xi32>,
    tpu.vector_store %arg5[%swap3A_181], %add3A_180 {strides = array<i32>} : memref<1024xi32, #tpu.memory_space<vmem>>, vector<16xi32>,
    %get3A_183 = arith.constant 576 : index
    %get3A_184 = tpu.vector_load %arg5[%get3A_183] {strides = array<i32>} : memref<1024xi32, #tpu.memory_space<vmem>>, vector<16xi32>,
    %add3A_185 = arith.addi %get3A_184, %broadcast_in_dim3A : vector<16xi32>
    %swap3A_186 = arith.constant 576 : index
    %swap3A_187 = tpu.vector_load %arg5[%swap3A_186] {strides = array<i32>} : memref<1024xi32, #tpu.memory_space<vmem>>, vector<16xi32>,
    tpu.vector_store %arg5[%swap3A_186], %add3A_185 {strides = array<i32>} : memref<1024xi32, #tpu.memory_space<vmem>>, vector<16xi32>,
    %get3A_188 = arith.constant 592 : index
    %get3A_189 = tpu.vector_load %arg5[%get3A_188] {strides = array<i32>} : memref<1024xi32, #tpu.memory_space<vmem>>, vector<16xi32>,
    %add3A_190 = arith.addi %get3A_189, %broadcast_in_dim3A : vector<16xi32>
    %swap3A_191 = arith.constant 592 : index
    %swap3A_192 = tpu.vector_load %arg5[%swap3A_191] {strides = array<i32>} : memref<1024xi32, #tpu.memory_space<vmem>>, vector<16xi32>,
    tpu.vector_store %arg5[%swap3A_191], %add3A_190 {strides = array<i32>} : memref<1024xi32, #tpu.memory_space<vmem>>, vector<16xi32>,
    %get3A_193 = arith.constant 608 : index
    %get3A_194 = tpu.vector_load %arg5[%get3A_193] {strides = array<i32>} : memref<1024xi32, #tpu.memory_space<vmem>>, vector<16xi32>,
    %add3A_195 = arith.addi %get3A_194, %broadcast_in_dim3A : vector<16xi32>
    %swap3A_196 = arith.constant 608 : index
    %swap3A_197 = tpu.vector_load %arg5[%swap3A_196] {strides = array<i32>} : memref<1024xi32, #tpu.memory_space<vmem>>, vector<16xi32>,
    tpu.vector_store %arg5[%swap3A_196], %add3A_195 {strides = array<i32>} : memref<1024xi32, #tpu.memory_space<vmem>>, vector<16xi32>,
    %get3A_198 = arith.constant 624 : index
    %get3A_199 = tpu.vector_load %arg5[%get3A_198] {strides = array<i32>} : memref<1024xi32, #tpu.memory_space<vmem>>, vector<16xi32>,
    %add3A_200 = arith.addi %get3A_199, %broadcast_in_dim3A : vector<16xi32>
    %swap3A_201 = arith.constant 624 : index
    %swap3A_202 = tpu.vector_load %arg5[%swap3A_201] {strides = array<i32>} : memref<1024xi32, #tpu.memory_space<vmem>>, vector<16xi32>,
    tpu.vector_store %arg5[%swap3A_201], %add3A_200 {strides = array<i32>} : memref<1024xi32, #tpu.memory_space<vmem>>, vector<16xi32>,
    %get3A_203 = arith.constant 640 : index
    %get3A_204 = tpu.vector_load %arg5[%get3A_203] {strides = array<i32>} : memref<1024xi32, #tpu.memory_space<vmem>>, vector<16xi32>,
    %add3A_205 = arith.addi %get3A_204, %broadcast_in_dim3A : vector<16xi32>
    %swap3A_206 = arith.constant 640 : index
    %swap3A_207 = tpu.vector_load %arg5[%swap3A_206] {strides = array<i32>} : memref<1024xi32, #tpu.memory_space<vmem>>, vector<16xi32>,
    tpu.vector_store %arg5[%swap3A_206], %add3A_205 {strides = array<i32>} : memref<1024xi32, #tpu.memory_space<vmem>>, vector<16xi32>,
    %get3A_208 = arith.constant 656 : index
    %get3A_209 = tpu.vector_load %arg5[%get3A_208] {strides = array<i32>} : memref<1024xi32, #tpu.memory_space<vmem>>, vector<16xi32>,
    %add3A_210 = arith.addi %get3A_209, %broadcast_in_dim3A : vector<16xi32>
    %swap3A_211 = arith.constant 656 : index
    %swap3A_212 = tpu.vector_load %arg5[%swap3A_211] {strides = array<i32>} : memref<1024xi32, #tpu.memory_space<vmem>>, vector<16xi32>,
    tpu.vector_store %arg5[%swap3A_211], %add3A_210 {strides = array<i32>} : memref<1024xi32, #tpu.memory_space<vmem>>, vector<16xi32>,
    %get3A_213 = arith.constant 672 : index
    %get3A_214 = tpu.vector_load %arg5[%get3A_213] {strides = array<i32>} : memref<1024xi32, #tpu.memory_space<vmem>>, vector<16xi32>,
    %add3A_215 = arith.addi %get3A_214, %broadcast_in_dim3A : vector<16xi32>
    %swap3A_216 = arith.constant 672 : index
    %swap3A_217 = tpu.vector_load %arg5[%swap3A_216] {strides = array<i32>} : memref<1024xi32, #tpu.memory_space<vmem>>, vector<16xi32>,
    tpu.vector_store %arg5[%swap3A_216], %add3A_215 {strides = array<i32>} : memref<1024xi32, #tpu.memory_space<vmem>>, vector<16xi32>,
    %get3A_218 = arith.constant 688 : index
    %get3A_219 = tpu.vector_load %arg5[%get3A_218] {strides = array<i32>} : memref<1024xi32, #tpu.memory_space<vmem>>, vector<16xi32>,
    %add3A_220 = arith.addi %get3A_219, %broadcast_in_dim3A : vector<16xi32>
    %swap3A_221 = arith.constant 688 : index
    %swap3A_222 = tpu.vector_load %arg5[%swap3A_221] {strides = array<i32>} : memref<1024xi32, #tpu.memory_space<vmem>>, vector<16xi32>,
    tpu.vector_store %arg5[%swap3A_221], %add3A_220 {strides = array<i32>} : memref<1024xi32, #tpu.memory_space<vmem>>, vector<16xi32>,
    %get3A_223 = arith.constant 704 : index
    %get3A_224 = tpu.vector_load %arg5[%get3A_223] {strides = array<i32>} : memref<1024xi32, #tpu.memory_space<vmem>>, vector<16xi32>,
    %add3A_225 = arith.addi %get3A_224, %broadcast_in_dim3A : vector<16xi32>
    %swap3A_226 = arith.constant 704 : index
    %swap3A_227 = tpu.vector_load %arg5[%swap3A_226] {strides = array<i32>} : memref<1024xi32, #tpu.memory_space<vmem>>, vector<16xi32>,
    tpu.vector_store %arg5[%swap3A_226], %add3A_225 {strides = array<i32>} : memref<1024xi32, #tpu.memory_space<vmem>>, vector<16xi32>,
    %get3A_228 = arith.constant 720 : index
    %get3A_229 = tpu.vector_load %arg5[%get3A_228] {strides = array<i32>} : memref<1024xi32, #tpu.memory_space<vmem>>, vector<16xi32>,
    %add3A_230 = arith.addi %get3A_229, %broadcast_in_dim3A : vector<16xi32>
    %swap3A_231 = arith.constant 720 : index
    %swap3A_232 = tpu.vector_load %arg5[%swap3A_231] {strides = array<i32>} : memref<1024xi32, #tpu.memory_space<vmem>>, vector<16xi32>,
    tpu.vector_store %arg5[%swap3A_231], %add3A_230 {strides = array<i32>} : memref<1024xi32, #tpu.memory_space<vmem>>, vector<16xi32>,
    %get3A_233 = arith.constant 736 : index
    %get3A_234 = tpu.vector_load %arg5[%get3A_233] {strides = array<i32>} : memref<1024xi32, #tpu.memory_space<vmem>>, vector<16xi32>,
    %add3A_235 = arith.addi %get3A_234, %broadcast_in_dim3A : vector<16xi32>
    %swap3A_236 = arith.constant 736 : index
    %swap3A_237 = tpu.vector_load %arg5[%swap3A_236] {strides = array<i32>} : memref<1024xi32, #tpu.memory_space<vmem>>, vector<16xi32>,
    tpu.vector_store %arg5[%swap3A_236], %add3A_235 {strides = array<i32>} : memref<1024xi32, #tpu.memory_space<vmem>>, vector<16xi32>,
    %get3A_238 = arith.constant 752 : index
    %get3A_239 = tpu.vector_load %arg5[%get3A_238] {strides = array<i32>} : memref<1024xi32, #tpu.memory_space<vmem>>, vector<16xi32>,
    %add3A_240 = arith.addi %get3A_239, %broadcast_in_dim3A : vector<16xi32>
    %swap3A_241 = arith.constant 752 : index
    %swap3A_242 = tpu.vector_load %arg5[%swap3A_241] {strides = array<i32>} : memref<1024xi32, #tpu.memory_space<vmem>>, vector<16xi32>,
    tpu.vector_store %arg5[%swap3A_241], %add3A_240 {strides = array<i32>} : memref<1024xi32, #tpu.memory_space<vmem>>, vector<16xi32>,
    %get3A_243 = arith.constant 768 : index
    %get3A_244 = tpu.vector_load %arg5[%get3A_243] {strides = array<i32>} : memref<1024xi32, #tpu.memory_space<vmem>>, vector<16xi32>,
    %add3A_245 = arith.addi %get3A_244, %broadcast_in_dim3A : vector<16xi32>
    %swap3A_246 = arith.constant 768 : index
    %swap3A_247 = tpu.vector_load %arg5[%swap3A_246] {strides = array<i32>} : memref<1024xi32, #tpu.memory_space<vmem>>, vector<16xi32>,
    tpu.vector_store %arg5[%swap3A_246], %add3A_245 {strides = array<i32>} : memref<1024xi32, #tpu.memory_space<vmem>>, vector<16xi32>,
    %get3A_248 = arith.constant 784 : index
    %get3A_249 = tpu.vector_load %arg5[%get3A_248] {strides = array<i32>} : memref<1024xi32, #tpu.memory_space<vmem>>, vector<16xi32>,
    %add3A_250 = arith.addi %get3A_249, %broadcast_in_dim3A : vector<16xi32>
    %swap3A_251 = arith.constant 784 : index
    %swap3A_252 = tpu.vector_load %arg5[%swap3A_251] {strides = array<i32>} : memref<1024xi32, #tpu.memory_space<vmem>>, vector<16xi32>,
    tpu.vector_store %arg5[%swap3A_251], %add3A_250 {strides = array<i32>} : memref<1024xi32, #tpu.memory_space<vmem>>, vector<16xi32>,
    %get3A_253 = arith.constant 800 : index
    %get3A_254 = tpu.vector_load %arg5[%get3A_253] {strides = array<i32>} : memref<1024xi32, #tpu.memory_space<vmem>>, vector<16xi32>,
    %add3A_255 = arith.addi %get3A_254, %broadcast_in_dim3A : vector<16xi32>
    %swap3A_256 = arith.constant 800 : index
    %swap3A_257 = tpu.vector_load %arg5[%swap3A_256] {strides = array<i32>} : memref<1024xi32, #tpu.memory_space<vmem>>, vector<16xi32>,
    tpu.vector_store %arg5[%swap3A_256], %add3A_255 {strides = array<i32>} : memref<1024xi32, #tpu.memory_space<vmem>>, vector<16xi32>,
    %get3A_258 = arith.constant 816 : index
    %get3A_259 = tpu.vector_load %arg5[%get3A_258] {strides = array<i32>} : memref<1024xi32, #tpu.memory_space<vmem>>, vector<16xi32>,
    %add3A_260 = arith.addi %get3A_259, %broadcast_in_dim3A : vector<16xi32>
    %swap3A_261 = arith.constant 816 : index
    %swap3A_262 = tpu.vector_load %arg5[%swap3A_261] {strides = array<i32>} : memref<1024xi32, #tpu.memory_space<vmem>>, vector<16xi32>,
    tpu.vector_store %arg5[%swap3A_261], %add3A_260 {strides = array<i32>} : memref<1024xi32, #tpu.memory_space<vmem>>, vector<16xi32>,
    %get3A_263 = arith.constant 832 : index
    %get3A_264 = tpu.vector_load %arg5[%get3A_263] {strides = array<i32>} : memref<1024xi32, #tpu.memory_space<vmem>>, vector<16xi32>,
    %add3A_265 = arith.addi %get3A_264, %broadcast_in_dim3A : vector<16xi32>
    %swap3A_266 = arith.constant 832 : index
    %swap3A_267 = tpu.vector_load %arg5[%swap3A_266] {strides = array<i32>} : memref<1024xi32, #tpu.memory_space<vmem>>, vector<16xi32>,
    tpu.vector_store %arg5[%swap3A_266], %add3A_265 {strides = array<i32>} : memref<1024xi32, #tpu.memory_space<vmem>>, vector<16xi32>,
    %get3A_268 = arith.constant 848 : index
    %get3A_269 = tpu.vector_load %arg5[%get3A_268] {strides = array<i32>} : memref<1024xi32, #tpu.memory_space<vmem>>, vector<16xi32>,
    %add3A_270 = arith.addi %get3A_269, %broadcast_in_dim3A : vector<16xi32>
    %swap3A_271 = arith.constant 848 : index
    %swap3A_272 = tpu.vector_load %arg5[%swap3A_271] {strides = array<i32>} : memref<1024xi32, #tpu.memory_space<vmem>>, vector<16xi32>,
    tpu.vector_store %arg5[%swap3A_271], %add3A_270 {strides = array<i32>} : memref<1024xi32, #tpu.memory_space<vmem>>, vector<16xi32>,
    %get3A_273 = arith.constant 864 : index
    %get3A_274 = tpu.vector_load %arg5[%get3A_273] {strides = array<i32>} : memref<1024xi32, #tpu.memory_space<vmem>>, vector<16xi32>,
    %add3A_275 = arith.addi %get3A_274, %broadcast_in_dim3A : vector<16xi32>
    %swap3A_276 = arith.constant 864 : index
    %swap3A_277 = tpu.vector_load %arg5[%swap3A_276] {strides = array<i32>} : memref<1024xi32, #tpu.memory_space<vmem>>, vector<16xi32>,
    tpu.vector_store %arg5[%swap3A_276], %add3A_275 {strides = array<i32>} : memref<1024xi32, #tpu.memory_space<vmem>>, vector<16xi32>,
    %get3A_278 = arith.constant 880 : index
    %get3A_279 = tpu.vector_load %arg5[%get3A_278] {strides = array<i32>} : memref<1024xi32, #tpu.memory_space<vmem>>, vector<16xi32>,
    %add3A_280 = arith.addi %get3A_279, %broadcast_in_dim3A : vector<16xi32>
    %swap3A_281 = arith.constant 880 : index
    %swap3A_282 = tpu.vector_load %arg5[%swap3A_281] {strides = array<i32>} : memref<1024xi32, #tpu.memory_space<vmem>>, vector<16xi32>,
    tpu.vector_store %arg5[%swap3A_281], %add3A_280 {strides = array<i32>} : memref<1024xi32, #tpu.memory_space<vmem>>, vector<16xi32>,
    %get3A_283 = arith.constant 896 : index
    %get3A_284 = tpu.vector_load %arg5[%get3A_283] {strides = array<i32>} : memref<1024xi32, #tpu.memory_space<vmem>>, vector<16xi32>,
    %add3A_285 = arith.addi %get3A_284, %broadcast_in_dim3A : vector<16xi32>
    %swap3A_286 = arith.constant 896 : index
    %swap3A_287 = tpu.vector_load %arg5[%swap3A_286] {strides = array<i32>} : memref<1024xi32, #tpu.memory_space<vmem>>, vector<16xi32>,
    tpu.vector_store %arg5[%swap3A_286], %add3A_285 {strides = array<i32>} : memref<1024xi32, #tpu.memory_space<vmem>>, vector<16xi32>,
    %get3A_288 = arith.constant 912 : index
    %get3A_289 = tpu.vector_load %arg5[%get3A_288] {strides = array<i32>} : memref<1024xi32, #tpu.memory_space<vmem>>, vector<16xi32>,
    %add3A_290 = arith.addi %get3A_289, %broadcast_in_dim3A : vector<16xi32>
    %swap3A_291 = arith.constant 912 : index
    %swap3A_292 = tpu.vector_load %arg5[%swap3A_291] {strides = array<i32>} : memref<1024xi32, #tpu.memory_space<vmem>>, vector<16xi32>,
    tpu.vector_store %arg5[%swap3A_291], %add3A_290 {strides = array<i32>} : memref<1024xi32, #tpu.memory_space<vmem>>, vector<16xi32>,
    %get3A_293 = arith.constant 928 : index
    %get3A_294 = tpu.vector_load %arg5[%get3A_293] {strides = array<i32>} : memref<1024xi32, #tpu.memory_space<vmem>>, vector<16xi32>,
    %add3A_295 = arith.addi %get3A_294, %broadcast_in_dim3A : vector<16xi32>
    %swap3A_296 = arith.constant 928 : index
    %swap3A_297 = tpu.vector_load %arg5[%swap3A_296] {strides = array<i32>} : memref<1024xi32, #tpu.memory_space<vmem>>, vector<16xi32>,
    tpu.vector_store %arg5[%swap3A_296], %add3A_295 {strides = array<i32>} : memref<1024xi32, #tpu.memory_space<vmem>>, vector<16xi32>,
    %get3A_298 = arith.constant 944 : index
    %get3A_299 = tpu.vector_load %arg5[%get3A_298] {strides = array<i32>} : memref<1024xi32, #tpu.memory_space<vmem>>, vector<16xi32>,
    %add3A_300 = arith.addi %get3A_299, %broadcast_in_dim3A : vector<16xi32>
    %swap3A_301 = arith.constant 944 : index
    %swap3A_302 = tpu.vector_load %arg5[%swap3A_301] {strides = array<i32>} : memref<1024xi32, #tpu.memory_space<vmem>>, vector<16xi32>,
    tpu.vector_store %arg5[%swap3A_301], %add3A_300 {strides = array<i32>} : memref<1024xi32, #tpu.memory_space<vmem>>, vector<16xi32>,
    %get3A_303 = arith.constant 960 : index
    %get3A_304 = tpu.vector_load %arg5[%get3A_303] {strides = array<i32>} : memref<1024xi32, #tpu.memory_space<vmem>>, vector<16xi32>,
    %add3A_305 = arith.addi %get3A_304, %broadcast_in_dim3A : vector<16xi32>
    %swap3A_306 = arith.constant 960 : index
    %swap3A_307 = tpu.vector_load %arg5[%swap3A_306] {strides = array<i32>} : memref<1024xi32, #tpu.memory_space<vmem>>, vector<16xi32>,
    tpu.vector_store %arg5[%swap3A_306], %add3A_305 {strides = array<i32>} : memref<1024xi32, #tpu.memory_space<vmem>>, vector<16xi32>,
    %get3A_308 = arith.constant 976 : index
    %get3A_309 = tpu.vector_load %arg5[%get3A_308] {strides = array<i32>} : memref<1024xi32, #tpu.memory_space<vmem>>, vector<16xi32>,
    %add3A_310 = arith.addi %get3A_309, %broadcast_in_dim3A : vector<16xi32>
    %swap3A_311 = arith.constant 976 : index
    %swap3A_312 = tpu.vector_load %arg5[%swap3A_311] {strides = array<i32>} : memref<1024xi32, #tpu.memory_space<vmem>>, vector<16xi32>,
    tpu.vector_store %arg5[%swap3A_311], %add3A_310 {strides = array<i32>} : memref<1024xi32, #tpu.memory_space<vmem>>, vector<16xi32>,
    %get3A_313 = arith.constant 992 : index
    %get3A_314 = tpu.vector_load %arg5[%get3A_313] {strides = array<i32>} : memref<1024xi32, #tpu.memory_space<vmem>>, vector<16xi32>,
    %add3A_315 = arith.addi %get3A_314, %broadcast_in_dim3A : vector<16xi32>
    %swap3A_316 = arith.constant 992 : index
    %swap3A_317 = tpu.vector_load %arg5[%swap3A_316] {strides = array<i32>} : memref<1024xi32, #tpu.memory_space<vmem>>, vector<16xi32>,
    tpu.vector_store %arg5[%swap3A_316], %add3A_315 {strides = array<i32>} : memref<1024xi32, #tpu.memory_space<vmem>>, vector<16xi32>,
    %get3A_318 = arith.constant 1008 : index
    %get3A_319 = tpu.vector_load %arg5[%get3A_318] {strides = array<i32>} : memref<1024xi32, #tpu.memory_space<vmem>>, vector<16xi32>,
    %add3A_320 = arith.addi %get3A_319, %broadcast_in_dim3A : vector<16xi32>
    %swap3A_321 = arith.constant 1008 : index
    %swap3A_322 = tpu.vector_load %arg5[%swap3A_321] {strides = array<i32>} : memref<1024xi32, #tpu.memory_space<vmem>>, vector<16xi32>,
    tpu.vector_store %arg5[%swap3A_321], %add3A_320 {strides = array<i32>} : memref<1024xi32, #tpu.memory_space<vmem>>, vector<16xi32>,
    %dma_start3A = arith.constant 0 : i32
    %dma_start3A_323 = tpu.memref_slice %arg5[%dma_start3A] : memref<1024xi32, #tpu.memory_space<vmem>> -> memref<32xi32, #tpu.memory_space<vmem>>
    %dma_start3A_324 = arith.constant 0 : i32
    %dma_start3A_325 = arith.constant 0 : i32
    %dma_start3A_326 = tpu.memref_slice %arg3[%dma_start3A_324, %dma_start3A_325] : memref<512x1024xf32, #tpu.memory_space<hbm>> -> memref<512x1024xf32, #tpu.memory_space<hbm>>
    tpu.enqueue_indirect_dma source(%dma_start3A_326 : memref<512x1024xf32, #tpu.memory_space<hbm>>) target(%arg6 : memref<32x1024xf32, #tpu.memory_space<vmem>>) offsets(%dma_start3A_323 : memref<32xi32, #tpu.memory_space<vmem>>) semaphore(%arg9 : memref<!tpu.dma_semaphore, #tpu.memory_space<semaphore_mem>>)
    %dma_start3A_327 = arith.constant 32 : i32
    %dma_start3A_328 = tpu.memref_slice %arg5[%dma_start3A_327] : memref<1024xi32, #tpu.memory_space<vmem>> -> memref<32xi32, #tpu.memory_space<vmem>>
    %dma_start3A_329 = arith.constant 0 : i32
    %dma_start3A_330 = arith.constant 0 : i32
    %dma_start3A_331 = tpu.memref_slice %arg3[%dma_start3A_329, %dma_start3A_330] : memref<512x1024xf32, #tpu.memory_space<hbm>> -> memref<512x1024xf32, #tpu.memory_space<hbm>>
    tpu.enqueue_indirect_dma source(%dma_start3A_331 : memref<512x1024xf32, #tpu.memory_space<hbm>>) target(%arg7 : memref<32x1024xf32, #tpu.memory_space<vmem>>) offsets(%dma_start3A_328 : memref<32xi32, #tpu.memory_space<vmem>>) semaphore(%arg10 : memref<!tpu.dma_semaphore, #tpu.memory_space<semaphore_mem>>)
    %dma_wait3A = arith.constant 0 : i32
    %dma_wait3A_332 = tpu.memref_slice %arg5[%dma_wait3A] : memref<1024xi32, #tpu.memory_space<vmem>> -> memref<32xi32, #tpu.memory_space<vmem>>
    %dma_wait3A_333 = arith.constant 0 : i32
    %dma_wait3A_334 = arith.constant 0 : i32
    %dma_wait3A_335 = tpu.memref_slice %arg3[%dma_wait3A_333, %dma_wait3A_334] : memref<512x1024xf32, #tpu.memory_space<hbm>> -> memref<512x1024xf32, #tpu.memory_space<hbm>>
    tpu.wait_indirect_dma semaphore(%arg9 : memref<!tpu.dma_semaphore, #tpu.memory_space<semaphore_mem>>) src(%dma_wait3A_335 : memref<512x1024xf32, #tpu.memory_space<hbm>>) dst(%arg6 : memref<32x1024xf32, #tpu.memory_space<vmem>>)
    %add3A_336 = arith.constant 0 : i32
    %add3A_337 = arith.addi %mul3A_2, %add3A_336 : i32
    %dma_start3A_338 = arith.constant 0 : i32
    %dma_start3A_339 = tpu.memref_slice %arg4[%add3A_337, %dma_start3A_338] : memref<32768x1024xf32, #tpu.memory_space<hbm>> -> memref<32x1024xf32, #tpu.memory_space<hbm>>
    %dma_start3A_340 = arith.constant 0 : i32
    %dma_start3A_341 = tpu.memref_slice %arg4[%add3A_337, %dma_start3A_340] : memref<32768x1024xf32, #tpu.memory_space<hbm>> -> memref<32x1024xf32, #tpu.memory_space<hbm>>
    tpu.enqueue_dma source(%arg6 : memref<32x1024xf32, #tpu.memory_space<vmem>>) target(%dma_start3A_341 : memref<32x1024xf32, #tpu.memory_space<hbm>>) target_semaphore(%arg12 : memref<!tpu.dma_semaphore, #tpu.memory_space<semaphore_mem>>)
    %dma_start3A_342 = arith.constant 64 : i32
    %dma_start3A_343 = tpu.memref_slice %arg5[%dma_start3A_342] : memref<1024xi32, #tpu.memory_space<vmem>> -> memref<32xi32, #tpu.memory_space<vmem>>
    %dma_start3A_344 = arith.constant 0 : i32
    %dma_start3A_345 = arith.constant 0 : i32
    %dma_start3A_346 = tpu.memref_slice %arg3[%dma_start3A_344, %dma_start3A_345] : memref<512x1024xf32, #tpu.memory_space<hbm>> -> memref<512x1024xf32, #tpu.memory_space<hbm>>
    tpu.enqueue_indirect_dma source(%dma_start3A_346 : memref<512x1024xf32, #tpu.memory_space<hbm>>) target(%arg8 : memref<32x1024xf32, #tpu.memory_space<vmem>>) offsets(%dma_start3A_343 : memref<32xi32, #tpu.memory_space<vmem>>) semaphore(%arg11 : memref<!tpu.dma_semaphore, #tpu.memory_space<semaphore_mem>>)
    %scan3A = arith.constant 0 : i32
    %scan3A_347 = arith.constant 0 : i32
    %scan3A_348 = arith.constant 9 : i32
    %scan3A_349 = arith.addi %scan3A_347, %scan3A_348 : i32
    %scan3A_350 = arith.constant 1 : i32
    scf.for %scan3A_436 = %scan3A_347 to %scan3A_349 step %scan3A_350  : i32 {
      %mul3A_437 = arith.constant 3 : i32
      %mul3A_438 = arith.muli %mul3A_437, %scan3A_436 : i32
      %add3A_439 = arith.constant 1 : i32
      %add3A_440 = arith.addi %mul3A_438, %add3A_439 : i32
      %mul3A_441 = arith.constant 32 : i32
      %mul3A_442 = arith.muli %add3A_440, %mul3A_441 : i32
      %dma_wait3A_443 = tpu.memref_slice %arg5[%mul3A_442] : memref<1024xi32, #tpu.memory_space<vmem>> -> memref<32xi32, #tpu.memory_space<vmem>>
      %dma_wait3A_444 = arith.constant 0 : i32
      %dma_wait3A_445 = arith.constant 0 : i32
      %dma_wait3A_446 = tpu.memref_slice %arg3[%dma_wait3A_444, %dma_wait3A_445] : memref<512x1024xf32, #tpu.memory_space<hbm>> -> memref<512x1024xf32, #tpu.memory_space<hbm>>
      tpu.wait_indirect_dma semaphore(%arg10 : memref<!tpu.dma_semaphore, #tpu.memory_space<semaphore_mem>>) src(%dma_wait3A_446 : memref<512x1024xf32, #tpu.memory_space<hbm>>) dst(%arg7 : memref<32x1024xf32, #tpu.memory_space<vmem>>)
      %mul3A_447 = arith.constant 32 : i32
      %mul3A_448 = arith.muli %add3A_440, %mul3A_447 : i32
      %add3A_449 = arith.addi %mul3A_2, %mul3A_448 : i32
      %dma_start3A_450 = arith.constant 0 : i32
      %dma_start3A_451 = tpu.memref_slice %arg4[%add3A_449, %dma_start3A_450] : memref<32768x1024xf32, #tpu.memory_space<hbm>> -> memref<32x1024xf32, #tpu.memory_space<hbm>>
      %dma_start3A_452 = arith.constant 0 : i32
      %dma_start3A_453 = tpu.memref_slice %arg4[%add3A_449, %dma_start3A_452] : memref<32768x1024xf32, #tpu.memory_space<hbm>> -> memref<32x1024xf32, #tpu.memory_space<hbm>>
      tpu.enqueue_dma source(%arg7 : memref<32x1024xf32, #tpu.memory_space<vmem>>) target(%dma_start3A_453 : memref<32x1024xf32, #tpu.memory_space<hbm>>) target_semaphore(%arg13 : memref<!tpu.dma_semaphore, #tpu.memory_space<semaphore_mem>>)
      %sub3A = arith.constant 1 : i32
      %sub3A_454 = arith.subi %add3A_440, %sub3A : i32
      %mul3A_455 = arith.constant 32 : i32
      %mul3A_456 = arith.muli %sub3A_454, %mul3A_455 : i32
      %add3A_457 = arith.addi %mul3A_2, %mul3A_456 : i32
      %dma_wait3A_458 = arith.constant 0 : i32
      %dma_wait3A_459 = tpu.memref_slice %arg4[%add3A_457, %dma_wait3A_458] : memref<32768x1024xf32, #tpu.memory_space<hbm>> -> memref<32x1024xf32, #tpu.memory_space<hbm>>
      %dma_wait3A_460 = arith.constant 0 : i32
      %dma_wait3A_461 = tpu.memref_slice %arg4[%add3A_457, %dma_wait3A_460] : memref<32768x1024xf32, #tpu.memory_space<hbm>> -> memref<32x1024xf32, #tpu.memory_space<hbm>>
      tpu.wait_dma2 semaphore(%arg12 : memref<!tpu.dma_semaphore, #tpu.memory_space<semaphore_mem>>) src(%arg6 : memref<32x1024xf32, #tpu.memory_space<vmem>>) dst(%dma_wait3A_461 : memref<32x1024xf32, #tpu.memory_space<hbm>>)
      %add3A_462 = arith.constant 2 : i32
      %add3A_463 = arith.addi %add3A_440, %add3A_462 : i32
      %mul3A_464 = arith.constant 32 : i32
      %mul3A_465 = arith.muli %add3A_463, %mul3A_464 : i32
      %dma_start3A_466 = tpu.memref_slice %arg5[%mul3A_465] : memref<1024xi32, #tpu.memory_space<vmem>> -> memref<32xi32, #tpu.memory_space<vmem>>
      %dma_start3A_467 = arith.constant 0 : i32
      %dma_start3A_468 = arith.constant 0 : i32
      %dma_start3A_469 = tpu.memref_slice %arg3[%dma_start3A_467, %dma_start3A_468] : memref<512x1024xf32, #tpu.memory_space<hbm>> -> memref<512x1024xf32, #tpu.memory_space<hbm>>
      tpu.enqueue_indirect_dma source(%dma_start3A_469 : memref<512x1024xf32, #tpu.memory_space<hbm>>) target(%arg6 : memref<32x1024xf32, #tpu.memory_space<vmem>>) offsets(%dma_start3A_466 : memref<32xi32, #tpu.memory_space<vmem>>) semaphore(%arg9 : memref<!tpu.dma_semaphore, #tpu.memory_space<semaphore_mem>>)
      %mul3A_470 = arith.constant 3 : i32
      %mul3A_471 = arith.muli %mul3A_470, %scan3A_436 : i32
      %add3A_472 = arith.constant 2 : i32
      %add3A_473 = arith.addi %mul3A_471, %add3A_472 : i32
      %mul3A_474 = arith.constant 32 : i32
      %mul3A_475 = arith.muli %add3A_473, %mul3A_474 : i32
      %dma_wait3A_476 = tpu.memref_slice %arg5[%mul3A_475] : memref<1024xi32, #tpu.memory_space<vmem>> -> memref<32xi32, #tpu.memory_space<vmem>>
      %dma_wait3A_477 = arith.constant 0 : i32
      %dma_wait3A_478 = arith.constant 0 : i32
      %dma_wait3A_479 = tpu.memref_slice %arg3[%dma_wait3A_477, %dma_wait3A_478] : memref<512x1024xf32, #tpu.memory_space<hbm>> -> memref<512x1024xf32, #tpu.memory_space<hbm>>
      tpu.wait_indirect_dma semaphore(%arg11 : memref<!tpu.dma_semaphore, #tpu.memory_space<semaphore_mem>>) src(%dma_wait3A_479 : memref<512x1024xf32, #tpu.memory_space<hbm>>) dst(%arg8 : memref<32x1024xf32, #tpu.memory_space<vmem>>)
      %mul3A_480 = arith.constant 32 : i32
      %mul3A_481 = arith.muli %add3A_473, %mul3A_480 : i32
      %add3A_482 = arith.addi %mul3A_2, %mul3A_481 : i32
      %dma_start3A_483 = arith.constant 0 : i32
      %dma_start3A_484 = tpu.memref_slice %arg4[%add3A_482, %dma_start3A_483] : memref<32768x1024xf32, #tpu.memory_space<hbm>> -> memref<32x1024xf32, #tpu.memory_space<hbm>>
      %dma_start3A_485 = arith.constant 0 : i32
      %dma_start3A_486 = tpu.memref_slice %arg4[%add3A_482, %dma_start3A_485] : memref<32768x1024xf32, #tpu.memory_space<hbm>> -> memref<32x1024xf32, #tpu.memory_space<hbm>>
      tpu.enqueue_dma source(%arg8 : memref<32x1024xf32, #tpu.memory_space<vmem>>) target(%dma_start3A_486 : memref<32x1024xf32, #tpu.memory_space<hbm>>) target_semaphore(%arg14 : memref<!tpu.dma_semaphore, #tpu.memory_space<semaphore_mem>>)
      %sub3A_487 = arith.constant 1 : i32
      %sub3A_488 = arith.subi %add3A_473, %sub3A_487 : i32
      %mul3A_489 = arith.constant 32 : i32
      %mul3A_490 = arith.muli %sub3A_488, %mul3A_489 : i32
      %add3A_491 = arith.addi %mul3A_2, %mul3A_490 : i32
      %dma_wait3A_492 = arith.constant 0 : i32
      %dma_wait3A_493 = tpu.memref_slice %arg4[%add3A_491, %dma_wait3A_492] : memref<32768x1024xf32, #tpu.memory_space<hbm>> -> memref<32x1024xf32, #tpu.memory_space<hbm>>
      %dma_wait3A_494 = arith.constant 0 : i32
      %dma_wait3A_495 = tpu.memref_slice %arg4[%add3A_491, %dma_wait3A_494] : memref<32768x1024xf32, #tpu.memory_space<hbm>> -> memref<32x1024xf32, #tpu.memory_space<hbm>>
      tpu.wait_dma2 semaphore(%arg13 : memref<!tpu.dma_semaphore, #tpu.memory_space<semaphore_mem>>) src(%arg7 : memref<32x1024xf32, #tpu.memory_space<vmem>>) dst(%dma_wait3A_495 : memref<32x1024xf32, #tpu.memory_space<hbm>>)
      %add3A_496 = arith.constant 2 : i32
      %add3A_497 = arith.addi %add3A_473, %add3A_496 : i32
      %mul3A_498 = arith.constant 32 : i32
      %mul3A_499 = arith.muli %add3A_497, %mul3A_498 : i32
      %dma_start3A_500 = tpu.memref_slice %arg5[%mul3A_499] : memref<1024xi32, #tpu.memory_space<vmem>> -> memref<32xi32, #tpu.memory_space<vmem>>
      %dma_start3A_501 = arith.constant 0 : i32
      %dma_start3A_502 = arith.constant 0 : i32
      %dma_start3A_503 = tpu.memref_slice %arg3[%dma_start3A_501, %dma_start3A_502] : memref<512x1024xf32, #tpu.memory_space<hbm>> -> memref<512x1024xf32, #tpu.memory_space<hbm>>
      tpu.enqueue_indirect_dma source(%dma_start3A_503 : memref<512x1024xf32, #tpu.memory_space<hbm>>) target(%arg7 : memref<32x1024xf32, #tpu.memory_space<vmem>>) offsets(%dma_start3A_500 : memref<32xi32, #tpu.memory_space<vmem>>) semaphore(%arg10 : memref<!tpu.dma_semaphore, #tpu.memory_space<semaphore_mem>>)
      %mul3A_504 = arith.constant 3 : i32
      %mul3A_505 = arith.muli %mul3A_504, %scan3A_436 : i32
      %add3A_506 = arith.constant 3 : i32
      %add3A_507 = arith.addi %mul3A_505, %add3A_506 : i32
      %mul3A_508 = arith.constant 32 : i32
      %mul3A_509 = arith.muli %add3A_507, %mul3A_508 : i32
      %dma_wait3A_510 = tpu.memref_slice %arg5[%mul3A_509] : memref<1024xi32, #tpu.memory_space<vmem>> -> memref<32xi32, #tpu.memory_space<vmem>>
      %dma_wait3A_511 = arith.constant 0 : i32
      %dma_wait3A_512 = arith.constant 0 : i32
      %dma_wait3A_513 = tpu.memref_slice %arg3[%dma_wait3A_511, %dma_wait3A_512] : memref<512x1024xf32, #tpu.memory_space<hbm>> -> memref<512x1024xf32, #tpu.memory_space<hbm>>
      tpu.wait_indirect_dma semaphore(%arg9 : memref<!tpu.dma_semaphore, #tpu.memory_space<semaphore_mem>>) src(%dma_wait3A_513 : memref<512x1024xf32, #tpu.memory_space<hbm>>) dst(%arg6 : memref<32x1024xf32, #tpu.memory_space<vmem>>)
      %mul3A_514 = arith.constant 32 : i32
      %mul3A_515 = arith.muli %add3A_507, %mul3A_514 : i32
      %add3A_516 = arith.addi %mul3A_2, %mul3A_515 : i32
      %dma_start3A_517 = arith.constant 0 : i32
      %dma_start3A_518 = tpu.memref_slice %arg4[%add3A_516, %dma_start3A_517] : memref<32768x1024xf32, #tpu.memory_space<hbm>> -> memref<32x1024xf32, #tpu.memory_space<hbm>>
      %dma_start3A_519 = arith.constant 0 : i32
      %dma_start3A_520 = tpu.memref_slice %arg4[%add3A_516, %dma_start3A_519] : memref<32768x1024xf32, #tpu.memory_space<hbm>> -> memref<32x1024xf32, #tpu.memory_space<hbm>>
      tpu.enqueue_dma source(%arg6 : memref<32x1024xf32, #tpu.memory_space<vmem>>) target(%dma_start3A_520 : memref<32x1024xf32, #tpu.memory_space<hbm>>) target_semaphore(%arg12 : memref<!tpu.dma_semaphore, #tpu.memory_space<semaphore_mem>>)
      %sub3A_521 = arith.constant 1 : i32
      %sub3A_522 = arith.subi %add3A_507, %sub3A_521 : i32
      %mul3A_523 = arith.constant 32 : i32
      %mul3A_524 = arith.muli %sub3A_522, %mul3A_523 : i32
      %add3A_525 = arith.addi %mul3A_2, %mul3A_524 : i32
      %dma_wait3A_526 = arith.constant 0 : i32
      %dma_wait3A_527 = tpu.memref_slice %arg4[%add3A_525, %dma_wait3A_526] : memref<32768x1024xf32, #tpu.memory_space<hbm>> -> memref<32x1024xf32, #tpu.memory_space<hbm>>
      %dma_wait3A_528 = arith.constant 0 : i32
      %dma_wait3A_529 = tpu.memref_slice %arg4[%add3A_525, %dma_wait3A_528] : memref<32768x1024xf32, #tpu.memory_space<hbm>> -> memref<32x1024xf32, #tpu.memory_space<hbm>>
      tpu.wait_dma2 semaphore(%arg14 : memref<!tpu.dma_semaphore, #tpu.memory_space<semaphore_mem>>) src(%arg8 : memref<32x1024xf32, #tpu.memory_space<vmem>>) dst(%dma_wait3A_529 : memref<32x1024xf32, #tpu.memory_space<hbm>>)
      %add3A_530 = arith.constant 2 : i32
      %add3A_531 = arith.addi %add3A_507, %add3A_530 : i32
      %mul3A_532 = arith.constant 32 : i32
      %mul3A_533 = arith.muli %add3A_531, %mul3A_532 : i32
      %dma_start3A_534 = tpu.memref_slice %arg5[%mul3A_533] : memref<1024xi32, #tpu.memory_space<vmem>> -> memref<32xi32, #tpu.memory_space<vmem>>
      %dma_start3A_535 = arith.constant 0 : i32
      %dma_start3A_536 = arith.constant 0 : i32
      %dma_start3A_537 = tpu.memref_slice %arg3[%dma_start3A_535, %dma_start3A_536] : memref<512x1024xf32, #tpu.memory_space<hbm>> -> memref<512x1024xf32, #tpu.memory_space<hbm>>
      tpu.enqueue_indirect_dma source(%dma_start3A_537 : memref<512x1024xf32, #tpu.memory_space<hbm>>) target(%arg8 : memref<32x1024xf32, #tpu.memory_space<vmem>>) offsets(%dma_start3A_534 : memref<32xi32, #tpu.memory_space<vmem>>) semaphore(%arg11 : memref<!tpu.dma_semaphore, #tpu.memory_space<semaphore_mem>>)
    }
    %scan3A_351 = arith.constant 9 : i32
    %dma_wait3A_352 = arith.constant 896 : i32
    %dma_wait3A_353 = tpu.memref_slice %arg5[%dma_wait3A_352] : memref<1024xi32, #tpu.memory_space<vmem>> -> memref<32xi32, #tpu.memory_space<vmem>>
    %dma_wait3A_354 = arith.constant 0 : i32
    %dma_wait3A_355 = arith.constant 0 : i32
    %dma_wait3A_356 = tpu.memref_slice %arg3[%dma_wait3A_354, %dma_wait3A_355] : memref<512x1024xf32, #tpu.memory_space<hbm>> -> memref<512x1024xf32, #tpu.memory_space<hbm>>
    tpu.wait_indirect_dma semaphore(%arg10 : memref<!tpu.dma_semaphore, #tpu.memory_space<semaphore_mem>>) src(%dma_wait3A_356 : memref<512x1024xf32, #tpu.memory_space<hbm>>) dst(%arg7 : memref<32x1024xf32, #tpu.memory_space<vmem>>)
    %add3A_357 = arith.constant 896 : i32
    %add3A_358 = arith.addi %mul3A_2, %add3A_357 : i32
    %dma_start3A_359 = arith.constant 0 : i32
    %dma_start3A_360 = tpu.memref_slice %arg4[%add3A_358, %dma_start3A_359] : memref<32768x1024xf32, #tpu.memory_space<hbm>> -> memref<32x1024xf32, #tpu.memory_space<hbm>>
    %dma_start3A_361 = arith.constant 0 : i32
    %dma_start3A_362 = tpu.memref_slice %arg4[%add3A_358, %dma_start3A_361] : memref<32768x1024xf32, #tpu.memory_space<hbm>> -> memref<32x1024xf32, #tpu.memory_space<hbm>>
    tpu.enqueue_dma source(%arg7 : memref<32x1024xf32, #tpu.memory_space<vmem>>) target(%dma_start3A_362 : memref<32x1024xf32, #tpu.memory_space<hbm>>) target_semaphore(%arg13 : memref<!tpu.dma_semaphore, #tpu.memory_space<semaphore_mem>>)
    %add3A_363 = arith.constant 864 : i32
    %add3A_364 = arith.addi %mul3A_2, %add3A_363 : i32
    %dma_wait3A_365 = arith.constant 0 : i32
    %dma_wait3A_366 = tpu.memref_slice %arg4[%add3A_364, %dma_wait3A_365] : memref<32768x1024xf32, #tpu.memory_space<hbm>> -> memref<32x1024xf32, #tpu.memory_space<hbm>>
    %dma_wait3A_367 = arith.constant 0 : i32
    %dma_wait3A_368 = tpu.memref_slice %arg4[%add3A_364, %dma_wait3A_367] : memref<32768x1024xf32, #tpu.memory_space<hbm>> -> memref<32x1024xf32, #tpu.memory_space<hbm>>
    tpu.wait_dma2 semaphore(%arg12 : memref<!tpu.dma_semaphore, #tpu.memory_space<semaphore_mem>>) src(%arg6 : memref<32x1024xf32, #tpu.memory_space<vmem>>) dst(%dma_wait3A_368 : memref<32x1024xf32, #tpu.memory_space<hbm>>)
    %dma_start3A_369 = arith.constant 960 : i32
    %dma_start3A_370 = tpu.memref_slice %arg5[%dma_start3A_369] : memref<1024xi32, #tpu.memory_space<vmem>> -> memref<32xi32, #tpu.memory_space<vmem>>
    %dma_start3A_371 = arith.constant 0 : i32
    %dma_start3A_372 = arith.constant 0 : i32
    %dma_start3A_373 = tpu.memref_slice %arg3[%dma_start3A_371, %dma_start3A_372] : memref<512x1024xf32, #tpu.memory_space<hbm>> -> memref<512x1024xf32, #tpu.memory_space<hbm>>
    tpu.enqueue_indirect_dma source(%dma_start3A_373 : memref<512x1024xf32, #tpu.memory_space<hbm>>) target(%arg6 : memref<32x1024xf32, #tpu.memory_space<vmem>>) offsets(%dma_start3A_370 : memref<32xi32, #tpu.memory_space<vmem>>) semaphore(%arg9 : memref<!tpu.dma_semaphore, #tpu.memory_space<semaphore_mem>>)
    %dma_wait3A_374 = arith.constant 928 : i32
    %dma_wait3A_375 = tpu.memref_slice %arg5[%dma_wait3A_374] : memref<1024xi32, #tpu.memory_space<vmem>> -> memref<32xi32, #tpu.memory_space<vmem>>
    %dma_wait3A_376 = arith.constant 0 : i32
    %dma_wait3A_377 = arith.constant 0 : i32
    %dma_wait3A_378 = tpu.memref_slice %arg3[%dma_wait3A_376, %dma_wait3A_377] : memref<512x1024xf32, #tpu.memory_space<hbm>> -> memref<512x1024xf32, #tpu.memory_space<hbm>>
    tpu.wait_indirect_dma semaphore(%arg11 : memref<!tpu.dma_semaphore, #tpu.memory_space<semaphore_mem>>) src(%dma_wait3A_378 : memref<512x1024xf32, #tpu.memory_space<hbm>>) dst(%arg8 : memref<32x1024xf32, #tpu.memory_space<vmem>>)
    %add3A_379 = arith.constant 928 : i32
    %add3A_380 = arith.addi %mul3A_2, %add3A_379 : i32
    %dma_start3A_381 = arith.constant 0 : i32
    %dma_start3A_382 = tpu.memref_slice %arg4[%add3A_380, %dma_start3A_381] : memref<32768x1024xf32, #tpu.memory_space<hbm>> -> memref<32x1024xf32, #tpu.memory_space<hbm>>
    %dma_start3A_383 = arith.constant 0 : i32
    %dma_start3A_384 = tpu.memref_slice %arg4[%add3A_380, %dma_start3A_383] : memref<32768x1024xf32, #tpu.memory_space<hbm>> -> memref<32x1024xf32, #tpu.memory_space<hbm>>
    tpu.enqueue_dma source(%arg8 : memref<32x1024xf32, #tpu.memory_space<vmem>>) target(%dma_start3A_384 : memref<32x1024xf32, #tpu.memory_space<hbm>>) target_semaphore(%arg14 : memref<!tpu.dma_semaphore, #tpu.memory_space<semaphore_mem>>)
    %add3A_385 = arith.constant 896 : i32
    %add3A_386 = arith.addi %mul3A_2, %add3A_385 : i32
    %dma_wait3A_387 = arith.constant 0 : i32
    %dma_wait3A_388 = tpu.memref_slice %arg4[%add3A_386, %dma_wait3A_387] : memref<32768x1024xf32, #tpu.memory_space<hbm>> -> memref<32x1024xf32, #tpu.memory_space<hbm>>
    %dma_wait3A_389 = arith.constant 0 : i32
    %dma_wait3A_390 = tpu.memref_slice %arg4[%add3A_386, %dma_wait3A_389] : memref<32768x1024xf32, #tpu.memory_space<hbm>> -> memref<32x1024xf32, #tpu.memory_space<hbm>>
    tpu.wait_dma2 semaphore(%arg13 : memref<!tpu.dma_semaphore, #tpu.memory_space<semaphore_mem>>) src(%arg7 : memref<32x1024xf32, #tpu.memory_space<vmem>>) dst(%dma_wait3A_390 : memref<32x1024xf32, #tpu.memory_space<hbm>>)
    %dma_start3A_391 = arith.constant 992 : i32
    %dma_start3A_392 = tpu.memref_slice %arg5[%dma_start3A_391] : memref<1024xi32, #tpu.memory_space<vmem>> -> memref<32xi32, #tpu.memory_space<vmem>>
    %dma_start3A_393 = arith.constant 0 : i32
    %dma_start3A_394 = arith.constant 0 : i32
    %dma_start3A_395 = tpu.memref_slice %arg3[%dma_start3A_393, %dma_start3A_394] : memref<512x1024xf32, #tpu.memory_space<hbm>> -> memref<512x1024xf32, #tpu.memory_space<hbm>>
    tpu.enqueue_indirect_dma source(%dma_start3A_395 : memref<512x1024xf32, #tpu.memory_space<hbm>>) target(%arg7 : memref<32x1024xf32, #tpu.memory_space<vmem>>) offsets(%dma_start3A_392 : memref<32xi32, #tpu.memory_space<vmem>>) semaphore(%arg10 : memref<!tpu.dma_semaphore, #tpu.memory_space<semaphore_mem>>)
    %dma_wait3A_396 = arith.constant 960 : i32
    %dma_wait3A_397 = tpu.memref_slice %arg5[%dma_wait3A_396] : memref<1024xi32, #tpu.memory_space<vmem>> -> memref<32xi32, #tpu.memory_space<vmem>>
    %dma_wait3A_398 = arith.constant 0 : i32
    %dma_wait3A_399 = arith.constant 0 : i32
    %dma_wait3A_400 = tpu.memref_slice %arg3[%dma_wait3A_398, %dma_wait3A_399] : memref<512x1024xf32, #tpu.memory_space<hbm>> -> memref<512x1024xf32, #tpu.memory_space<hbm>>
    tpu.wait_indirect_dma semaphore(%arg9 : memref<!tpu.dma_semaphore, #tpu.memory_space<semaphore_mem>>) src(%dma_wait3A_400 : memref<512x1024xf32, #tpu.memory_space<hbm>>) dst(%arg6 : memref<32x1024xf32, #tpu.memory_space<vmem>>)
    %add3A_401 = arith.constant 960 : i32
    %add3A_402 = arith.addi %mul3A_2, %add3A_401 : i32
    %dma_start3A_403 = arith.constant 0 : i32
    %dma_start3A_404 = tpu.memref_slice %arg4[%add3A_402, %dma_start3A_403] : memref<32768x1024xf32, #tpu.memory_space<hbm>> -> memref<32x1024xf32, #tpu.memory_space<hbm>>
    %dma_start3A_405 = arith.constant 0 : i32
    %dma_start3A_406 = tpu.memref_slice %arg4[%add3A_402, %dma_start3A_405] : memref<32768x1024xf32, #tpu.memory_space<hbm>> -> memref<32x1024xf32, #tpu.memory_space<hbm>>
    tpu.enqueue_dma source(%arg6 : memref<32x1024xf32, #tpu.memory_space<vmem>>) target(%dma_start3A_406 : memref<32x1024xf32, #tpu.memory_space<hbm>>) target_semaphore(%arg12 : memref<!tpu.dma_semaphore, #tpu.memory_space<semaphore_mem>>)
    %dma_wait3A_407 = arith.constant 992 : i32
    %dma_wait3A_408 = tpu.memref_slice %arg5[%dma_wait3A_407] : memref<1024xi32, #tpu.memory_space<vmem>> -> memref<32xi32, #tpu.memory_space<vmem>>
    %dma_wait3A_409 = arith.constant 0 : i32
    %dma_wait3A_410 = arith.constant 0 : i32
    %dma_wait3A_411 = tpu.memref_slice %arg3[%dma_wait3A_409, %dma_wait3A_410] : memref<512x1024xf32, #tpu.memory_space<hbm>> -> memref<512x1024xf32, #tpu.memory_space<hbm>>
    tpu.wait_indirect_dma semaphore(%arg10 : memref<!tpu.dma_semaphore, #tpu.memory_space<semaphore_mem>>) src(%dma_wait3A_411 : memref<512x1024xf32, #tpu.memory_space<hbm>>) dst(%arg7 : memref<32x1024xf32, #tpu.memory_space<vmem>>)
    %add3A_412 = arith.constant 992 : i32
    %add3A_413 = arith.addi %mul3A_2, %add3A_412 : i32
    %dma_start3A_414 = arith.constant 0 : i32
    %dma_start3A_415 = tpu.memref_slice %arg4[%add3A_413, %dma_start3A_414] : memref<32768x1024xf32, #tpu.memory_space<hbm>> -> memref<32x1024xf32, #tpu.memory_space<hbm>>
    %dma_start3A_416 = arith.constant 0 : i32
    %dma_start3A_417 = tpu.memref_slice %arg4[%add3A_413, %dma_start3A_416] : memref<32768x1024xf32, #tpu.memory_space<hbm>> -> memref<32x1024xf32, #tpu.memory_space<hbm>>
    tpu.enqueue_dma source(%arg7 : memref<32x1024xf32, #tpu.memory_space<vmem>>) target(%dma_start3A_417 : memref<32x1024xf32, #tpu.memory_space<hbm>>) target_semaphore(%arg13 : memref<!tpu.dma_semaphore, #tpu.memory_space<semaphore_mem>>)
    %add3A_418 = arith.constant 928 : i32
    %add3A_419 = arith.addi %mul3A_2, %add3A_418 : i32
    %dma_wait3A_420 = arith.constant 0 : i32
    %dma_wait3A_421 = tpu.memref_slice %arg4[%add3A_419, %dma_wait3A_420] : memref<32768x1024xf32, #tpu.memory_space<hbm>> -> memref<32x1024xf32, #tpu.memory_space<hbm>>
    %dma_wait3A_422 = arith.constant 0 : i32
    %dma_wait3A_423 = tpu.memref_slice %arg4[%add3A_419, %dma_wait3A_422] : memref<32768x1024xf32, #tpu.memory_space<hbm>> -> memref<32x1024xf32, #tpu.memory_space<hbm>>
    tpu.wait_dma2 semaphore(%arg14 : memref<!tpu.dma_semaphore, #tpu.memory_space<semaphore_mem>>) src(%arg8 : memref<32x1024xf32, #tpu.memory_space<vmem>>) dst(%dma_wait3A_423 : memref<32x1024xf32, #tpu.memory_space<hbm>>)
    %add3A_424 = arith.constant 960 : i32
    %add3A_425 = arith.addi %mul3A_2, %add3A_424 : i32
    %dma_wait3A_426 = arith.constant 0 : i32
    %dma_wait3A_427 = tpu.memref_slice %arg4[%add3A_425, %dma_wait3A_426] : memref<32768x1024xf32, #tpu.memory_space<hbm>> -> memref<32x1024xf32, #tpu.memory_space<hbm>>
    %dma_wait3A_428 = arith.constant 0 : i32
    %dma_wait3A_429 = tpu.memref_slice %arg4[%add3A_425, %dma_wait3A_428] : memref<32768x1024xf32, #tpu.memory_space<hbm>> -> memref<32x1024xf32, #tpu.memory_space<hbm>>
    tpu.wait_dma2 semaphore(%arg12 : memref<!tpu.dma_semaphore, #tpu.memory_space<semaphore_mem>>) src(%arg6 : memref<32x1024xf32, #tpu.memory_space<vmem>>) dst(%dma_wait3A_429 : memref<32x1024xf32, #tpu.memory_space<hbm>>)
    %add3A_430 = arith.constant 992 : i32
    %add3A_431 = arith.addi %mul3A_2, %add3A_430 : i32
    %dma_wait3A_432 = arith.constant 0 : i32
    %dma_wait3A_433 = tpu.memref_slice %arg4[%add3A_431, %dma_wait3A_432] : memref<32768x1024xf32, #tpu.memory_space<hbm>> -> memref<32x1024xf32, #tpu.memory_space<hbm>>
    %dma_wait3A_434 = arith.constant 0 : i32
    %dma_wait3A_435 = tpu.memref_slice %arg4[%add3A_431, %dma_wait3A_434] : memref<32768x1024xf32, #tpu.memory_space<hbm>> -> memref<32x1024xf32, #tpu.memory_space<hbm>>
    tpu.wait_dma2 semaphore(%arg13 : memref<!tpu.dma_semaphore, #tpu.memory_space<semaphore_mem>>) src(%arg7 : memref<32x1024xf32, #tpu.memory_space<vmem>>) dst(%dma_wait3A_435 : memref<32x1024xf32, #tpu.memory_space<hbm>>)
    return
  }
}

</mosaic_0001>

<sc_bundles>
// kernel: kernel.3.cloned.1.call-start
scs
__scs_entry_jumppad:
0x0: {  	(pc) =	sbr.rel $0x88, $3  }
0x1: {  	(tag) =	ssettag $0x0;
	lr =	simm.s32 $0x1  }
0x2: {  	[smem:$0x3F9F] =	sst lr;
	_ =	strace $0xD0000000  }
0x3: {  	_ = 	snop  }
0x4: {  	_ = 	snop  }
0x5: {  	_ = 	snop  }
0x6: {  	_ = 	snop  }
0x7: {  	_ = 	snop  }
__scs_overlays_trampoline_lowered:
0x8: {  	[smem:$0x3FAE] =	sst s0  }
0x9: {  	[smem:$0x3FAF] =	sst s1  }
0xa: {  	[smem:$0x3FB0] =	sst s2  }
0xb: {  	[smem:$0x3FB1] =	sst s3  }
0xc: {  	[smem:$0x3FB2] =	sst s4  }
0xd: {  	[smem:$0x3FB3] =	sst s5  }
0xe: {  	[smem:$0x3FB4] =	sst s6  }
0xf: {  	[smem:$0x3FB5] =	sst s7  }
0x10: {  	[smem:$0x3FB6] =	sst s8  }
0x11: {  	[smem:$0x3FB7] =	sst s9;
	s0 =	simm.s32 @!p0 $0x0  }
0x12: {  	s1 =	sld [smem:$0x3F9D];
	s0 =	simm.s32 @p0 $0x1  }
0x13: {  	[smem:$0x3FB8] =	sst s0;
	s0 =	simm.s32 @!p1 $0x0  }
0x14: {  	s2 =	sld [smem:$0x3F9C];
	s0 =	simm.s32 @p1 $0x1  }
0x15: {  	[smem:$0x3FB9] =	sst s0;
	s0 =	simm.s32 @!p2 $0x0  }
0x16: {  	s3 =	sld [smem:$0x3FDB];
	s0 =	simm.s32 @p2 $0x1  }
0x17: {  	s4 =	simm.s32 $0x1BF5;
	[smem:$0x3FBB] =	sst s0  }
0x18: {  	s0 =	sld [smem:$0x3F9E];
	_ =	swait.ge [sflag:s4], $0x0  }
0x19: {  	s7 =	sld [smem:$0x3F9F]  }
0x1a: {  	s8 =	sadd.s32 $0xFFFFE003, lr  }
0x1b: {  	s9 =	sadd.s32 $0xFFFFFEF7, lr;
	s5 =	simm.s32 $0xFFFFFFFF;
	p2 =	slt.u32 s8, $0xFFFFF086  }
0x1c: {  	p1 =	slt.u32 s9, $0xF7A;
	s5 =	simm.s32 @!p2 $0x0  }
0x1d: {  	s5 =	simm.s32 @p1 $0x1;
	p0 =	seq.s32 s7, s2  }
0x1e: {  	s7 =	smul.u32 @!p0 $0xF7A, s2;
	p2 =	seq.s32 @!p0 s5, $0x0  }
0x1f: {  	s9 =	smul.u32 $0xF7A, s1;
	s8 =	simm.s32 @!p0 $0x1BF5;
	p2 =	por !p2, p0  }
0x20: {  	[sflag:s8] =	ssyncset.s32 @!p0 $0xFFFFF086;
	s6 =	sadd.s32 @!p0 s3, s7;
	s7 =	simm.s32 @!p0 $0x108  }
0x21: {  	s3 =	sadd.s32 s3, s9;
	s6 =	sadd.s32 @!p0 $0x88, s6;
	s7 =	simm.s32 @p2 $0x1082  }
0x22: {  	[simem:s7], [sflag:s8] =	dma.local @!p0 [hbm:s6], $0xF7A  }
0x23: {  	s9 =	sor.u32 $0xD0000000, s2;
	s6 =	simm.s32 $0x108;
	_ =	swait.ge @!p0 [sflag:s8], $0x0  }
0x24: {  	s3 =	sadd.s32 $0x88, s3;
	s6 =	simm.s32 @!p1 $0x1082;
	[sflag:s4] =	ssyncset.s32 $0xFFFFF086  }
0x25: {  	[simem:s6], [sflag:s4] =	dma.local [hbm:s3], $0xF7A  }
0x26: {  	[smem:$0x3F9F] =	sst s1;
	(tag) =	ssettag s2;
	_ =	strace s9  }
0x27: {  	s1 =	sld [smem:$0x3FAF]  }
0x28: {  	s2 =	sld [smem:$0x3FB0]  }
0x29: {  	s4 =	sld [smem:$0x3FB2]  }
0x2a: {  	p0 =	seq.s32 s5, $0x0;
	s5 =	sld [smem:$0x3FB3]  }
0x2b: {  	s6 =	sld [smem:$0x3FB4]  }
0x2c: {  	s7 =	sld [smem:$0x3FB5]  }
0x2d: {  	s3 =	simm.s32 $0x108;
	s8 =	sld [smem:$0x3FB6]  }
0x2e: {  	s3 =	simm.s32 @!p0 $0x1082;
	s9 =	sld [smem:$0x3FB7]  }
0x2f: {  	lr =	sadd.s32 s0, s3;
	s0 =	sld [smem:$0x3FAE]  }
0x30: {  	s3 =	sld [smem:$0x3FB1]  }
0x31: {  	[smem:$0x3FBA] =	sst s10  }
0x32: {  	s10 =	sld [smem:$0x3FB8];
	_ =	sdelay $0x3  }
0x33: {  	p0 =	seq.s32 s10, $0x1;
	s10 =	sld [smem:$0x3FBA];
	_ =	sdelay $0x3  }
0x34: {  	[smem:$0x3FBA] =	sst s10  }
0x35: {  	s10 =	sld [smem:$0x3FB9];
	_ =	sdelay $0x3  }
0x36: {  	p1 =	seq.s32 s10, $0x1;
	s10 =	sld [smem:$0x3FBA];
	_ =	sdelay $0x3  }
0x37: {  	[smem:$0x3FBA] =	sst s10  }
0x38: {  	s10 =	sld [smem:$0x3FBB]  }
0x39: {  	_ = 	snop;
	(pc) =	sbr.ind lr, $3  }
0x3a: {  	_ = 	snop  }
0x3b: {  	_ = 	snop  }
0x3c: {  	p2 =	seq.s32 s10, $0x1;
	s10 =	sld [smem:$0x3FBA]  }
0x3d: {  	_ =	shalt  }
0x3e: {  	_ =	shalt  }
0x3f: {  	_ =	shalt  }
0x40: {  	_ =	shalt  }
0x41: {  	_ =	shalt  }
0x42: {  	_ =	shalt  }
0x43: {  	_ =	shalt  }
0x44: {  	_ =	shalt  }
0x45: {  	_ =	shalt  }
0x46: {  	_ =	shalt  }
0x47: {  	_ =	shalt  }
0x48: {  	_ =	shalt  }
0x49: {  	_ =	shalt  }
0x4a: {  	_ =	shalt  }
0x4b: {  	_ =	shalt  }
0x4c: {  	_ =	shalt  }
0x4d: {  	_ =	shalt  }
0x4e: {  	_ =	shalt  }
0x4f: {  	_ =	shalt  }
0x50: {  	_ =	shalt  }
0x51: {  	_ =	shalt  }
0x52: {  	_ =	shalt  }
0x53: {  	_ =	shalt  }
0x54: {  	_ =	shalt  }
0x55: {  	_ =	shalt  }
0x56: {  	_ =	shalt  }
0x57: {  	_ =	shalt  }
0x58: {  	_ =	shalt  }
0x59: {  	_ =	shalt  }
0x5a: {  	_ =	shalt  }
0x5b: {  	_ =	shalt  }
0x5c: {  	_ =	shalt  }
0x5d: {  	_ =	shalt  }
0x5e: {  	_ =	shalt  }
0x5f: {  	_ =	shalt  }
0x60: {  	_ =	shalt  }
0x61: {  	_ =	shalt  }
0x62: {  	_ =	shalt  }
0x63: {  	_ =	shalt  }
0x64: {  	_ =	shalt  }
0x65: {  	_ =	shalt  }
0x66: {  	_ =	shalt  }
0x67: {  	_ =	shalt  }
0x68: {  	_ =	shalt  }
0x69: {  	_ =	shalt  }
0x6a: {  	_ =	shalt  }
0x6b: {  	_ =	shalt  }
0x6c: {  	_ =	shalt  }
0x6d: {  	_ =	shalt  }
0x6e: {  	_ =	shalt  }
0x6f: {  	_ =	shalt  }
0x70: {  	_ =	shalt  }
0x71: {  	_ =	shalt  }
0x72: {  	_ =	shalt  }
0x73: {  	_ =	shalt  }
0x74: {  	_ =	shalt  }
0x75: {  	_ =	shalt  }
0x76: {  	_ =	shalt  }
0x77: {  	_ =	shalt  }
0x78: {  	_ =	shalt  }
0x79: {  	_ =	shalt  }
0x7a: {  	_ =	shalt  }
0x7b: {  	_ =	shalt  }
0x7c: {  	_ =	shalt  }
0x7d: {  	_ =	shalt  }
0x7e: {  	_ =	shalt  }
0x7f: {  	_ =	shalt  }
0x80: {  	_ =	shalt  }
0x81: {  	_ =	shalt  }
0x82: {  	_ =	shalt  }
0x83: {  	_ =	shalt  }
0x84: {  	_ =	shalt  }
0x85: {  	_ =	shalt  }
0x86: {  	_ =	shalt  }
0x87: {  	_ =	shalt  }
.Lfunc_end0:
.L_simem_size_0:
called_computation_lowered:
.L_overlay_start_0:
0x88: {  	s2 =	sld [smem:$0x3FD9]  }
0x89: {  	s3 =	sld [smem:$0x3FFE];
	_ =	sdelay $0x1  }
0x8a: {  	s1 =	srdreg.scid  }
0x8b: {  	s0 =	sand.u32 $0x1, s1  }
0x8c: {  	s17 =	sshll.u32 s0, $0xA;
	s2 =	sadd.s32 s3, s2  }
0x8d: {  	s2 =	sadd.s32 s2, s17  }
0x8e: {  	[smem:$0x3FC6] =	sst s2  }
0x8f: {  	_ = 	snop  }
0x90: {  	s2 =	sld [smem:$0x3FD0];
	(tm) =	ssettm $0x1  }
0x91: {  	s18 =	sld [smem:$0x3FFB];
	_ =	sdelay $0x3  }
0x92: {  	_ =	strace s18  }
0x93: {  	s3 =	sld [smem:$0x3FFC];
	_ =	sdelay $0x3  }
0x94: {  	_ =	strace s3  }
0x95: {  	s3 =	sld [smem:$0x3FFD];
	_ =	sdelay $0x3  }
0x96: {  	_ =	strace s3  }
0x97: {  	_ =	strace $0x8FFFFFFF  }
0x98: {  	s19 =	sld [smem:$0x3FDB];
	_ =	sdelay $0x1  }
0x99: {  	s4 =	simm.s32 $_scs_section_size  }
0x9a: {  	s5 =	simm.s32 $_size__tile_overlayer_lowered;
	s6 =	simm.s32 $_tile_overlayer_lowered  }
0x9b: {  	s22 =	simm.s32 $0x1BFF;
	s21 =	sshll.u32 s6, $0x1;
	s3 =	sadd.s32 s4, s19  }
0x9c: {  	s7 =	simm.s32 $0x0;
	s20 =	sshll.u32 s5, $0x1;
	s5 =	sadd.s32 s21, s3  }
0x9d: {  	[timem:s7], [sflag:s22] =	dma.local [hbm:s5], s20  }
0x9e: {  	_ =	swait.ge [sflag:s22], s20  }
0x9f: {  	s4 =	ssub.s32 $0x0, s20;
	[sflag:s22] =	ssyncset.done $0x0  }
0xa0: {  	[sflag:s22] =	ssyncadd.s32 s4;
	_ =	sdelay $0x1  }
0xa1: {  	s23 =	simm.s32 $0x1B8B  }
0xa2: {  	_ =	swait.ge [sflag:s23], $0x1  }
0xa3: {  	[sflag:s23] =	ssyncset.done $0x0  }
0xa4: {  	s25 =	simm.s32 $0x1B8E;
	s24 =	sld [smem:$0x3FFE];
	[sflag:s23] =	ssyncadd.s32 $0xFFFFFFFF  }
0xa5: {  	s26 =	simm.s32 $execute0_lowered;
	[smem:$0x3FD2] =	sst s25  }
0xa6: {  	s5 =	sshll.u32 s26, $0x1;
	_ =	strace $0x80000046;
	[dreg:$0x1] =	wrdreg $0xFFFFFFFF  }
0xa7: {  	s28 =	simm.s32 $_size_execute0_lowered;
	s3 =	sadd.s32 s3, s5;
	[dreg:$0x0] =	wrdreg $0x0  }
0xa8: {  	s5 =	sshll.u32 s28, $0x1;
	[dreg:$0x2] =	wrdreg s3  }
0xa9: {  	[dreg:$0x3] =	wrdreg s5  }
0xaa: {  	[dreg:$0x4] =	wrdreg $0xC0  }
0xab: {  	_ =	task [dreg:s7], $0x5FFFF  }
0xac: {  	[dreg:$0x1] =	wrdreg $0xFFFFFFFF  }
0xad: {  	[dreg:$0x0] =	wrdreg $0x60  }
0xae: {  	[dreg:$0x2] =	wrdreg s24  }
0xaf: {  	[dreg:$0x3] =	wrdreg s2  }
0xb0: {  	[dreg:$0x4] =	wrdreg $0x9  }
0xb1: {  	_ =	task.clear_ibuf [dreg:s7], $0x5FFFF;
	_ =	strace $0x90000046  }
0xb2: {  	s29 =	simm.s32 $0x9;
	_ =	strace $0x80000048  }
0xb3: {  	_ =	swait.ge [sflag:s29], $0x1  }
0xb4: {  	[sflag:s29] =	ssyncadd.s32 $0xFFFFFFFF  }
0xb5: {  	_ =	strace $0x90000048  }
0xb6: {  	_ =	sfence  }
0xb7: {  	s30 =	sld [smem:$0x0];
	_ =	sdelay $0x2  }
0xb8: {  	s31 =	sshll.u32 s1, $0xD;
	s1 =	sshrl.u32 s1, $0x2  }
0xb9: {  	s3 =	sand.u32 $0x4000, s31;
	s1 =	sadd.s32 s1, s30  }
0xba: {  	s0 =	sor.u32 s3, s0;
	s1 =	sshll.u32 s1, $0x11  }
0xbb: {  	s0 =	sor.u32 s1, s0  }
0xbc: {  	s0 =	sadd.s32 $0x8F2B, s0  }
0xbd: {  	[sflag:s0] =	ssyncadd.remote.s32 $0x1  }
0xbe: {  	_ =	sfence.sel $0xFFFF  }
0xbf: {  	[dreg:$0x0] =	wrdreg $0xFFFFFFFF;
	(pc) =	sbr.abs _section_cstart, $3  }
0xc0: {  	[dreg:$0x1] =	wrdreg $0xFFFFFFFF  }
0xc1: {  	_ =	task.clear_ibuf [dreg:s7], $0x2FFFF;
	_ =	strace $0x9FFFFFFF  }
0xc2: {  	(tm) =	ssettm $0x7FFFFFFF  }
0xc3: {  	_ =	shalt  }
tec
execute0_lowered:
.L_overlay_start_1:
0x0: {  	(tag) =	ssettag $0x1  }
0x1: {  	s0 =	rddreg [dreg:$0x0];
	s1 =	srdreg.scid  }
0x2: {  	s11 =	stileid.u32;
	s4 =	rddreg [dreg:$0x1];
	s2 =	simm.s32 $0x0  }
0x3: {  	s13 =	simm.s32 $0x11400;
	s16 =	simm.s32 $0x12C00;
	s17 =	simm.s32 $0x13C00  }
0x4: {  	s18 =	simm.s32 $0x14C00;
	s19 =	simm.s32 $0x15400;
	s20 =	simm.s32 $0x16400  }
0x5: {  	s29 =	simm.s32 $0x2;
	s30 =	simm.s32 $0x3;
	s12 =	simm.s32 $0x5  }
0x6: {  	s31 =	simm.s32 $0x6;
	s28 =	simm.s32 $0x16400;
	s1 =	sand.u32 $0x1, s1  }
0x7: {  	s3 =	sshll.u32 s11, $0x1;
	[smem:$0x7FF] =	sst s2;
	s23 =	sshll.u32 s11, $0x12  }
0x8: {  	s11 =	simm.s32 $0x4;
	s6 =	sor.u32 s1, s3;
	s5 =	ssub.s32 $0x2, s1  }
0x9: {  	_ =	strace $0x80000047;
	s1 =	sshll.u32 s1, $0x11;
	s3 =	sshll.u32 s6, $0x7  }
0xa: {  	s8 =	sshrl.u32 s5, $0x1;
	s15 =	sshll.u32 s6, $0x4;
	s10 =	sshll.u32 s6, $0x11  }
0xb: {  	s6 =	sadd.s32 $0x1600, s0;
	s7 =	sadd.s32 s3, s0;
	s3 =	sadd.s32 $0x1400, s0  }
0xc: {  	s9 =	ssub.s32 s5, s8;
	s5 =	sadd.s32 $0x1500, s0;
	s10 =	sadd.s32 s4, s10  }
0xd: {  	s8 =	simm.s32 $0x10C00;
	s14 =	sadd.s32 $0x400, s7;
	[dreg:$0x5] =	wrdreg s10  }
0xe: {  	v0 =	vmov s15;
	s15 =	simm.s32 $0x0;
	s21 =	sadd.s32 $0x1C000, s10;
	[dreg:$0x4] =	wrdreg s14  }
0xf: {  	s7 =	sadd.s32 $0x1700, s0;
	s22 =	sadd.s32 $0x1D000, s10;
	[dreg:$0x6] =	wrdreg s21  }
0x10: {  	s24 =	sadd.s32 $0x1E000, s10;
	s0 =	sadd.s32 s23, s4;
	[dreg:$0x7] =	wrdreg s22  }
0x11: {  	s25 =	sadd.s32 $0x1F000, s10;
	s26 =	smax.u32 s9, $0x1;
	[dreg:$0x8] =	wrdreg s24  }
0x12: {  	s23 =	simm.s32 $0x10400;
	s4 =	simm.s32 $0x13400;
	[dreg:$0x9] =	wrdreg s25  }
0x13: {  	s9 =	simm.s32 $0x15C00;
	s10 =	simm.s32 $0x17C00;
	[dreg:$0xa] =	wrdreg s26  }
0x14: {  	v3 =	vlaneseq.u32;
	s0 =	sadd.s32 s1, s0;
	s1 =	simm.s32 $0x8400;
	s14 =	simm.s32 $0x11C00  }
0x15: {  	vm0 =	vmmov $0xffff;
	v2 =	vshrl.u32 v3, $0x3;
	s24 =	simm.s32 $0x12400;
	s25 =	simm.s32 $0x14400;
	s26 =	simm.s32 $0x16C00  }
0x16: {  	v1 =	vand.u32 $0x7, v3;
	v3 =	vor.u32 $0x8, v3;
	v2 =	vmul.u32 $0x8, v2;
	s21 =	simm.s32 $0x17400;
	s22 =	simm.s32 $0x8400;
	[dreg:$0x3] =	wrdreg s0  }
.LBB2_1:
0x17: {  	[dreg:$0xb] =	wrdreg s15  }
0x18: {  	s0 =	rddreg [dreg:$0x4];
	s15 =	simm.s32 $0x7  }
0x19: {  	[tilespmem:s2], [sflag:$0x7] =	stream.linear.gather [hbm4b:s0+s2], $0x400, $0x38;
	[tilespmem:$0x18400] =	vst v63  }
0x1a: {  	_ =	swait.ge [sflag:s15], $0x400  }
0x1b: {  	[sflag:s15] =	ssyncset.done $0x0  }
0x1c: {  	[sflag:s15] =	ssyncadd.s32 $0xFFFFFC00  }
0x1d: {  	v4 =	vld [tilespmem:$0x0]  }
0x1e: {  	v6 =	vld [tilespmem:$0x10]  }
0x1f: {  	v7 =	vld [tilespmem:$0x20]  }
0x20: {  	v8 =	vld [tilespmem:$0x30]  }
0x21: {  	v9 =	vld [tilespmem:$0x40]  }
0x22: {  	v10 =	vld [tilespmem:$0x50];
	v5 =	vadd.s32 v0, v4  }
0x23: {  	v11 =	vld [tilespmem:$0x60];
	v6 =	vadd.s32 v0, v6;
	[tilespmem:$0x0] =	vst v5  }
0x24: {  	v55 =	vld [tilespmem:$0x70];
	v54 =	vadd.s32 v0, v7;
	[tilespmem:$0x10] =	vst v6  }
0x25: {  	v57 =	vld [tilespmem:$0x80];
	v56 =	vadd.s32 v0, v8;
	[tilespmem:$0x20] =	vst v54  }
0x26: {  	v59 =	vld [tilespmem:$0x90];
	v58 =	vadd.s32 v0, v9;
	[tilespmem:$0x30] =	vst v56  }
0x27: {  	v61 =	vld [tilespmem:$0xA0];
	v60 =	vadd.s32 v0, v10;
	[tilespmem:$0x40] =	vst v58  }
0x28: {  	v63 =	vld [tilespmem:$0xB0];
	v62 =	vadd.s32 v0, v11;
	[tilespmem:$0x50] =	vst v60  }
0x29: {  	v13 =	vld [tilespmem:$0xC0];
	v12 =	vadd.s32 v0, v55;
	[tilespmem:$0x60] =	vst v62  }
0x2a: {  	v15 =	vld [tilespmem:$0xD0];
	v14 =	vadd.s32 v0, v57;
	[tilespmem:$0x70] =	vst v12  }
0x2b: {  	v17 =	vld [tilespmem:$0xE0];
	v16 =	vadd.s32 v0, v59;
	[tilespmem:$0x80] =	vst v14  }
0x2c: {  	v19 =	vld [tilespmem:$0xF0];
	v18 =	vadd.s32 v0, v61;
	[tilespmem:$0x90] =	vst v16  }
0x2d: {  	v21 =	vld [tilespmem:$0x100];
	v20 =	vadd.s32 v0, v63;
	[tilespmem:$0xA0] =	vst v18  }
0x2e: {  	v23 =	vld [tilespmem:$0x110];
	v22 =	vadd.s32 v0, v13;
	[tilespmem:$0xB0] =	vst v20  }
0x2f: {  	v25 =	vld [tilespmem:$0x120];
	v24 =	vadd.s32 v0, v15;
	[tilespmem:$0xC0] =	vst v22  }
0x30: {  	v27 =	vld [tilespmem:$0x130];
	v26 =	vadd.s32 v0, v17;
	[tilespmem:$0xD0] =	vst v24  }
0x31: {  	v29 =	vld [tilespmem:$0x140];
	v28 =	vadd.s32 v0, v19;
	[tilespmem:$0xE0] =	vst v26  }
0x32: {  	v31 =	vld [tilespmem:$0x150];
	v30 =	vadd.s32 v0, v21;
	[tilespmem:$0xF0] =	vst v28  }
0x33: {  	v33 =	vld [tilespmem:$0x160];
	v32 =	vadd.s32 v0, v23;
	[tilespmem:$0x100] =	vst v30  }
0x34: {  	v35 =	vld [tilespmem:$0x170];
	v34 =	vadd.s32 v0, v25;
	[tilespmem:$0x110] =	vst v32  }
0x35: {  	v37 =	vld [tilespmem:$0x180];
	v36 =	vadd.s32 v0, v27;
	[tilespmem:$0x120] =	vst v34  }
0x36: {  	v39 =	vld [tilespmem:$0x190];
	v38 =	vadd.s32 v0, v29;
	[tilespmem:$0x130] =	vst v36  }
0x37: {  	v41 =	vld [tilespmem:$0x1A0];
	v40 =	vadd.s32 v0, v31;
	[tilespmem:$0x140] =	vst v38  }
0x38: {  	v43 =	vld [tilespmem:$0x1B0];
	v42 =	vadd.s32 v0, v33;
	[tilespmem:$0x150] =	vst v40  }
0x39: {  	v45 =	vld [tilespmem:$0x1C0];
	v44 =	vadd.s32 v0, v35;
	[tilespmem:$0x160] =	vst v42  }
0x3a: {  	v47 =	vld [tilespmem:$0x1D0];
	v46 =	vadd.s32 v0, v37;
	[tilespmem:$0x170] =	vst v44  }
0x3b: {  	v49 =	vld [tilespmem:$0x1E0];
	v48 =	vadd.s32 v0, v39;
	[tilespmem:$0x180] =	vst v46  }
0x3c: {  	v51 =	vld [tilespmem:$0x1F0];
	v50 =	vadd.s32 v0, v41;
	[tilespmem:$0x190] =	vst v48  }
0x3d: {  	v53 =	vld [tilespmem:$0x200];
	v52 =	vadd.s32 v0, v43;
	[tilespmem:$0x1A0] =	vst v50  }
0x3e: {  	v55 =	vld [tilespmem:$0x210];
	[tilespmem:$0x1B0] =	vst v52;
	v54 =	vadd.s32 v0, v45  }
0x3f: {  	v57 =	vld [tilespmem:$0x220];
	v56 =	vadd.s32 v0, v47;
	[tilespmem:$0x1C0] =	vst v54  }
0x40: {  	v59 =	vld [tilespmem:$0x230];
	v58 =	vadd.s32 v0, v49;
	[tilespmem:$0x1D0] =	vst v56  }
0x41: {  	v61 =	vld [tilespmem:$0x240];
	v60 =	vadd.s32 v0, v51;
	[tilespmem:$0x1E0] =	vst v58  }
0x42: {  	v63 =	vld [tilespmem:$0x250];
	v62 =	vadd.s32 v0, v53;
	[tilespmem:$0x1F0] =	vst v60  }
0x43: {  	v13 =	vld [tilespmem:$0x260];
	[tilespmem:$0x200] =	vst v62;
	v12 =	vadd.s32 v0, v55  }
0x44: {  	v15 =	vld [tilespmem:$0x270];
	v14 =	vadd.s32 v0, v57;
	[tilespmem:$0x210] =	vst v12  }
0x45: {  	v17 =	vld [tilespmem:$0x280];
	v16 =	vadd.s32 v0, v59;
	[tilespmem:$0x220] =	vst v14  }
0x46: {  	v19 =	vld [tilespmem:$0x290];
	v18 =	vadd.s32 v0, v61;
	[tilespmem:$0x230] =	vst v16  }
0x47: {  	v21 =	vld [tilespmem:$0x2A0];
	v20 =	vadd.s32 v0, v63;
	[tilespmem:$0x240] =	vst v18  }
0x48: {  	v23 =	vld [tilespmem:$0x2B0];
	v22 =	vadd.s32 v0, v13;
	[tilespmem:$0x250] =	vst v20  }
0x49: {  	v25 =	vld [tilespmem:$0x2C0];
	v24 =	vadd.s32 v0, v15;
	[tilespmem:$0x260] =	vst v22  }
0x4a: {  	v27 =	vld [tilespmem:$0x2D0];
	v26 =	vadd.s32 v0, v17;
	[tilespmem:$0x270] =	vst v24  }
0x4b: {  	v29 =	vld [tilespmem:$0x2E0];
	v28 =	vadd.s32 v0, v19;
	[tilespmem:$0x280] =	vst v26  }
0x4c: {  	v31 =	vld [tilespmem:$0x2F0];
	v30 =	vadd.s32 v0, v21;
	[tilespmem:$0x290] =	vst v28  }
0x4d: {  	v33 =	vld [tilespmem:$0x300];
	v32 =	vadd.s32 v0, v23;
	[tilespmem:$0x2A0] =	vst v30  }
0x4e: {  	v35 =	vld [tilespmem:$0x310];
	v34 =	vadd.s32 v0, v25;
	[tilespmem:$0x2B0] =	vst v32  }
0x4f: {  	v37 =	vld [tilespmem:$0x320];
	v36 =	vadd.s32 v0, v27;
	[tilespmem:$0x2C0] =	vst v34  }
0x50: {  	v39 =	vld [tilespmem:$0x330];
	v38 =	vadd.s32 v0, v29;
	[tilespmem:$0x2D0] =	vst v36  }
0x51: {  	v41 =	vld [tilespmem:$0x340];
	v40 =	vadd.s32 v0, v31;
	[tilespmem:$0x2E0] =	vst v38  }
0x52: {  	v43 =	vld [tilespmem:$0x350];
	v42 =	vadd.s32 v0, v33;
	[tilespmem:$0x2F0] =	vst v40  }
0x53: {  	v45 =	vld [tilespmem:$0x360];
	v44 =	vadd.s32 v0, v35;
	[tilespmem:$0x300] =	vst v42  }
0x54: {  	v47 =	vld [tilespmem:$0x370];
	v46 =	vadd.s32 v0, v37;
	[tilespmem:$0x310] =	vst v44  }
0x55: {  	v49 =	vld [tilespmem:$0x380];
	v48 =	vadd.s32 v0, v39;
	[tilespmem:$0x320] =	vst v46  }
0x56: {  	v51 =	vld [tilespmem:$0x390];
	v50 =	vadd.s32 v0, v41;
	[tilespmem:$0x330] =	vst v48  }
0x57: {  	v53 =	vld [tilespmem:$0x3A0];
	v52 =	vadd.s32 v0, v43;
	[tilespmem:$0x340] =	vst v50  }
0x58: {  	v55 =	vld [tilespmem:$0x3B0];
	[tilespmem:$0x350] =	vst v52;
	v54 =	vadd.s32 v0, v45  }
0x59: {  	v5 =	vshll.u32 v5, $0x3;
	v57 =	vld [tilespmem:$0x3C0];
	v56 =	vadd.s32 v0, v47;
	[tilespmem:$0x360] =	vst v54  }
0x5a: {  	v4 =	vand.u32 $0x7, v4;
	v5 =	vand.u32 $0xFFFFFFC0, v5;
	v59 =	vld [tilespmem:$0x3D0];
	v58 =	vadd.s32 v0, v49;
	[tilespmem:$0x370] =	vst v56  }
0x5b: {  	v4 =	vor.u32 v4, v5;
	v61 =	vld [tilespmem:$0x3E0];
	v60 =	vadd.s32 v0, v51;
	[tilespmem:$0x380] =	vst v58  }
0x5c: {  	v62 =	vld [tilespmem:$0x3F0];
	v63 =	vperm.xlane v4, v1;
	v5 =	vadd.s32 v0, v53;
	[tilespmem:$0x390] =	vst v60  }
0x5d: {  	[tilespmem:$0x3A0] =	vst v5;
	v5 =	vadd.s32 v0, v55  }
0x5e: {  	v8 =	vadd.s32 v2, v63;
	[tilespmem:$0x3B0] =	vst v5;
	v5 =	vadd.s32 v0, v57  }
0x5f: {  	[tilespmem:$0x3C0] =	vst v5;
	v5 =	vadd.s32 v0, v59  }
0x60: {  	[tilespmem:$0x3D0] =	vst v5;
	v5 =	vadd.s32 v0, v61  }
0x61: {  	[tilespmem:$0x3E0] =	vst v5;
	v5 =	vadd.s32 v0, v62  }
0x62: {  	s15 =	simm.s32 $0x400;
	[tilespmem:$0x3F0] =	vst v5  }
0x63: {  	[tilespmem:s15], [sflag:$0x1] =	stream.indirect_vreg.gather [hbm4b:s3+s2], $0x80, v8, vm0, $0xb8;
	[tilespmem:$0x18400] =	vst v63  }
0x64: {  	s0 =	simm.s32 $0xC00;
	v4 =	vperm.xlane v4, v3  }
0x65: {  	[tilespmem:s0], [sflag:$0x1] =	stream.indirect_vreg.gather [hbm4b:s5+s2], $0x80, v8, vm0, $0xb8;
	[tilespmem:$0x18400] =	vst v63  }
0x66: {  	v4 =	vadd.s32 v2, v4;
	s0 =	simm.s32 $0x1400  }
0x67: {  	[tilespmem:s0], [sflag:$0x1] =	stream.indirect_vreg.gather [hbm4b:s6+s2], $0x80, v8, vm0, $0xb8;
	[tilespmem:$0x18400] =	vst v63  }
0x68: {  	s0 =	simm.s32 $0x1C00  }
0x69: {  	[tilespmem:s0], [sflag:$0x1] =	stream.indirect_vreg.gather [hbm4b:s7+s2], $0x80, v8, vm0, $0xb8;
	[tilespmem:$0x18400] =	vst v63  }
0x6a: {  	s0 =	simm.s32 $0x2400  }
0x6b: {  	[tilespmem:s0], [sflag:$0x1] =	stream.indirect_vreg.gather [hbm4b:s3+s2], $0x80, v4, vm0, $0xb8;
	[tilespmem:$0x18400] =	vst v63  }
0x6c: {  	s0 =	simm.s32 $0x2C00  }
0x6d: {  	[tilespmem:s0], [sflag:$0x1] =	stream.indirect_vreg.gather [hbm4b:s5+s2], $0x80, v4, vm0, $0xb8;
	[tilespmem:$0x18400] =	vst v63  }
0x6e: {  	s0 =	simm.s32 $0x3400  }
0x6f: {  	[tilespmem:s0], [sflag:$0x1] =	stream.indirect_vreg.gather [hbm4b:s6+s2], $0x80, v4, vm0, $0xb8;
	[tilespmem:$0x18400] =	vst v63  }
0x70: {  	s0 =	simm.s32 $0x3C00  }
0x71: {  	[tilespmem:s0], [sflag:$0x1] =	stream.indirect_vreg.gather [hbm4b:s7+s2], $0x80, v4, vm0, $0xb8;
	[tilespmem:$0x18400] =	vst v63  }
0x72: {  	v4 =	vld [tilespmem:$0x10];
	_ =	sdelay $0x4  }
0x73: {  	v5 =	vshll.u32 v4, $0x3  }
0x74: {  	v4 =	vand.u32 $0x7, v4;
	v5 =	vand.u32 $0xFFFFFFC0, v5  }
0x75: {  	v4 =	vor.u32 v4, v5  }
0x76: {  	v5 =	vperm.xlane v4, v1;
	_ =	sdelay $0x1  }
0x77: {  	v5 =	vadd.s32 v2, v5;
	_ =	sdelay $0x3  }
0x78: {  	s0 =	simm.s32 $0x4400  }
0x79: {  	[tilespmem:s0], [sflag:$0x1] =	stream.indirect_vreg.gather [hbm4b:s3+s2], $0x80, v5, vm0, $0xb8;
	[tilespmem:$0x18400] =	vst v63  }
0x7a: {  	v4 =	vperm.xlane v4, v3;
	s0 =	simm.s32 $0x4C00  }
0x7b: {  	[tilespmem:s0], [sflag:$0x1] =	stream.indirect_vreg.gather [hbm4b:s5+s2], $0x80, v5, vm0, $0xb8;
	[tilespmem:$0x18400] =	vst v63  }
0x7c: {  	v4 =	vadd.s32 v2, v4;
	s0 =	simm.s32 $0x5400  }
0x7d: {  	[tilespmem:s0], [sflag:$0x1] =	stream.indirect_vreg.gather [hbm4b:s6+s2], $0x80, v5, vm0, $0xb8;
	[tilespmem:$0x18400] =	vst v63  }
0x7e: {  	s0 =	simm.s32 $0x5C00  }
0x7f: {  	[tilespmem:s0], [sflag:$0x1] =	stream.indirect_vreg.gather [hbm4b:s7+s2], $0x80, v5, vm0, $0xb8;
	[tilespmem:$0x18400] =	vst v63  }
0x80: {  	s0 =	simm.s32 $0x6400  }
0x81: {  	[tilespmem:s0], [sflag:$0x1] =	stream.indirect_vreg.gather [hbm4b:s3+s2], $0x80, v4, vm0, $0xb8;
	[tilespmem:$0x18400] =	vst v63  }
0x82: {  	s0 =	simm.s32 $0x6C00  }
0x83: {  	[tilespmem:s0], [sflag:$0x1] =	stream.indirect_vreg.gather [hbm4b:s5+s2], $0x80, v4, vm0, $0xb8;
	[tilespmem:$0x18400] =	vst v63  }
0x84: {  	s0 =	simm.s32 $0x7400  }
0x85: {  	[tilespmem:s0], [sflag:$0x1] =	stream.indirect_vreg.gather [hbm4b:s6+s2], $0x80, v4, vm0, $0xb8;
	[tilespmem:$0x18400] =	vst v63  }
0x86: {  	s0 =	simm.s32 $0x7C00  }
0x87: {  	[tilespmem:s0], [sflag:$0x1] =	stream.indirect_vreg.gather [hbm4b:s7+s2], $0x80, v4, vm0, $0xb8;
	[tilespmem:$0x18400] =	vst v63  }
0x88: {  	v4 =	vld [tilespmem:$0x20];
	_ =	sdelay $0x4  }
0x89: {  	v5 =	vshll.u32 v4, $0x3  }
0x8a: {  	v4 =	vand.u32 $0x7, v4;
	v5 =	vand.u32 $0xFFFFFFC0, v5  }
0x8b: {  	v4 =	vor.u32 v4, v5  }
0x8c: {  	v5 =	vperm.xlane v4, v1;
	_ =	sdelay $0x1  }
0x8d: {  	v5 =	vadd.s32 v2, v5;
	_ =	sdelay $0x4  }
0x8e: {  	[tilespmem:s1], [sflag:$0x2] =	stream.indirect_vreg.gather [hbm4b:s3+s2], $0x80, v5, vm0, $0xb8;
	[tilespmem:$0x18400] =	vst v63  }
0x8f: {  	v4 =	vperm.xlane v4, v3;
	s1 =	simm.s32 $0x8C00  }
0x90: {  	[tilespmem:s1], [sflag:$0x2] =	stream.indirect_vreg.gather [hbm4b:s5+s2], $0x80, v5, vm0, $0xb8;
	[tilespmem:$0x18400] =	vst v63  }
0x91: {  	v4 =	vadd.s32 v2, v4;
	s1 =	simm.s32 $0x9400  }
0x92: {  	[tilespmem:s1], [sflag:$0x2] =	stream.indirect_vreg.gather [hbm4b:s6+s2], $0x80, v5, vm0, $0xb8;
	[tilespmem:$0x18400] =	vst v63  }
0x93: {  	s1 =	simm.s32 $0x9C00  }
0x94: {  	[tilespmem:s1], [sflag:$0x2] =	stream.indirect_vreg.gather [hbm4b:s7+s2], $0x80, v5, vm0, $0xb8;
	[tilespmem:$0x18400] =	vst v63  }
0x95: {  	s1 =	simm.s32 $0xA400  }
0x96: {  	[tilespmem:s1], [sflag:$0x2] =	stream.indirect_vreg.gather [hbm4b:s3+s2], $0x80, v4, vm0, $0xb8;
	[tilespmem:$0x18400] =	vst v63  }
0x97: {  	s1 =	simm.s32 $0xAC00  }
0x98: {  	[tilespmem:s1], [sflag:$0x2] =	stream.indirect_vreg.gather [hbm4b:s5+s2], $0x80, v4, vm0, $0xb8;
	[tilespmem:$0x18400] =	vst v63  }
0x99: {  	s1 =	simm.s32 $0xB400  }
0x9a: {  	[tilespmem:s1], [sflag:$0x2] =	stream.indirect_vreg.gather [hbm4b:s6+s2], $0x80, v4, vm0, $0xb8;
	[tilespmem:$0x18400] =	vst v63  }
0x9b: {  	s1 =	simm.s32 $0xBC00  }
0x9c: {  	[tilespmem:s1], [sflag:$0x2] =	stream.indirect_vreg.gather [hbm4b:s7+s2], $0x80, v4, vm0, $0xb8;
	[tilespmem:$0x18400] =	vst v63  }
0x9d: {  	v4 =	vld [tilespmem:$0x30];
	_ =	sdelay $0x4  }
0x9e: {  	v5 =	vshll.u32 v4, $0x3  }
0x9f: {  	v4 =	vand.u32 $0x7, v4;
	v5 =	vand.u32 $0xFFFFFFC0, v5  }
0xa0: {  	v4 =	vor.u32 v4, v5  }
0xa1: {  	v5 =	vperm.xlane v4, v1;
	_ =	sdelay $0x1  }
0xa2: {  	v5 =	vadd.s32 v2, v5;
	_ =	sdelay $0x3  }
0xa3: {  	s1 =	simm.s32 $0xC400  }
0xa4: {  	[tilespmem:s1], [sflag:$0x2] =	stream.indirect_vreg.gather [hbm4b:s3+s2], $0x80, v5, vm0, $0xb8;
	[tilespmem:$0x18400] =	vst v63  }
0xa5: {  	v4 =	vperm.xlane v4, v3;
	s1 =	simm.s32 $0xCC00  }
0xa6: {  	[tilespmem:s1], [sflag:$0x2] =	stream.indirect_vreg.gather [hbm4b:s5+s2], $0x80, v5, vm0, $0xb8;
	[tilespmem:$0x18400] =	vst v63  }
0xa7: {  	v4 =	vadd.s32 v2, v4;
	s1 =	simm.s32 $0xD400  }
0xa8: {  	[tilespmem:s1], [sflag:$0x2] =	stream.indirect_vreg.gather [hbm4b:s6+s2], $0x80, v5, vm0, $0xb8;
	[tilespmem:$0x18400] =	vst v63  }
0xa9: {  	s1 =	simm.s32 $0xDC00  }
0xaa: {  	[tilespmem:s1], [sflag:$0x2] =	stream.indirect_vreg.gather [hbm4b:s7+s2], $0x80, v5, vm0, $0xb8;
	[tilespmem:$0x18400] =	vst v63  }
0xab: {  	s1 =	simm.s32 $0xE400  }
0xac: {  	[tilespmem:s1], [sflag:$0x2] =	stream.indirect_vreg.gather [hbm4b:s3+s2], $0x80, v4, vm0, $0xb8;
	[tilespmem:$0x18400] =	vst v63  }
0xad: {  	s1 =	simm.s32 $0xEC00  }
0xae: {  	[tilespmem:s1], [sflag:$0x2] =	stream.indirect_vreg.gather [hbm4b:s5+s2], $0x80, v4, vm0, $0xb8;
	[tilespmem:$0x18400] =	vst v63  }
0xaf: {  	s1 =	simm.s32 $0xF400  }
0xb0: {  	[tilespmem:s1], [sflag:$0x2] =	stream.indirect_vreg.gather [hbm4b:s6+s2], $0x80, v4, vm0, $0xb8;
	[tilespmem:$0x18400] =	vst v63  }
0xb1: {  	s1 =	simm.s32 $0xFC00  }
0xb2: {  	[tilespmem:s1], [sflag:$0x2] =	stream.indirect_vreg.gather [hbm4b:s7+s2], $0x80, v4, vm0, $0xb8;
	[tilespmem:$0x18400] =	vst v63  }
0xb3: {  	s1 =	simm.s32 $0x1  }
0xb4: {  	_ =	swait.ge [sflag:s1], $0x8000  }
0xb5: {  	[sflag:s1] =	ssyncset.done $0x0  }
0xb6: {  	[sflag:s1] =	ssyncadd.s32 $0xFFFF8000;
	s1 =	rddreg [dreg:$0x5]  }
0xb7: {  	[hbm4b:s1+s2] =	stream.linear.scatter [tilespmem:s15], [sflag:$0x4], $0x8000, $0x38;
	[tilespmem:$0x18400] =	vst v63  }
0xb8: {  	v4 =	vld [tilespmem:$0x40];
	_ =	sdelay $0x4  }
0xb9: {  	v5 =	vshll.u32 v4, $0x3  }
0xba: {  	v4 =	vand.u32 $0x7, v4;
	v5 =	vand.u32 $0xFFFFFFC0, v5  }
0xbb: {  	v4 =	vor.u32 v4, v5  }
0xbc: {  	v5 =	vperm.xlane v4, v1;
	_ =	sdelay $0x1  }
0xbd: {  	v5 =	vadd.s32 v2, v5;
	_ =	sdelay $0x4  }
0xbe: {  	[tilespmem:s23], [sflag:$0x3] =	stream.indirect_vreg.gather [hbm4b:s3+s2], $0x80, v5, vm0, $0xb8;
	[tilespmem:$0x18400] =	vst v63  }
0xbf: {  	v4 =	vperm.xlane v4, v3  }
0xc0: {  	[tilespmem:s8], [sflag:$0x3] =	stream.indirect_vreg.gather [hbm4b:s5+s2], $0x80, v5, vm0, $0xb8;
	[tilespmem:$0x18400] =	vst v63  }
0xc1: {  	v4 =	vadd.s32 v2, v4  }
0xc2: {  	[tilespmem:s13], [sflag:$0x3] =	stream.indirect_vreg.gather [hbm4b:s6+s2], $0x80, v5, vm0, $0xb8;
	[tilespmem:$0x18400] =	vst v63  }
0xc3: {  	_ = 	snop  }
0xc4: {  	[tilespmem:s14], [sflag:$0x3] =	stream.indirect_vreg.gather [hbm4b:s7+s2], $0x80, v5, vm0, $0xb8;
	[tilespmem:$0x18400] =	vst v63  }
0xc5: {  	_ = 	snop  }
0xc6: {  	[tilespmem:s24], [sflag:$0x3] =	stream.indirect_vreg.gather [hbm4b:s3+s2], $0x80, v4, vm0, $0xb8;
	[tilespmem:$0x18400] =	vst v63  }
0xc7: {  	_ = 	snop  }
0xc8: {  	[tilespmem:s16], [sflag:$0x3] =	stream.indirect_vreg.gather [hbm4b:s5+s2], $0x80, v4, vm0, $0xb8;
	[tilespmem:$0x18400] =	vst v63  }
0xc9: {  	_ = 	snop  }
0xca: {  	[tilespmem:s4], [sflag:$0x3] =	stream.indirect_vreg.gather [hbm4b:s6+s2], $0x80, v4, vm0, $0xb8;
	[tilespmem:$0x18400] =	vst v63  }
0xcb: {  	_ = 	snop  }
0xcc: {  	[tilespmem:s17], [sflag:$0x3] =	stream.indirect_vreg.gather [hbm4b:s7+s2], $0x80, v4, vm0, $0xb8;
	[tilespmem:$0x18400] =	vst v63  }
0xcd: {  	v4 =	vld [tilespmem:$0x50];
	_ =	sdelay $0x4  }
0xce: {  	v5 =	vshll.u32 v4, $0x3  }
0xcf: {  	v4 =	vand.u32 $0x7, v4;
	v5 =	vand.u32 $0xFFFFFFC0, v5  }
0xd0: {  	v4 =	vor.u32 v4, v5  }
0xd1: {  	v5 =	vperm.xlane v4, v1;
	_ =	sdelay $0x1  }
0xd2: {  	v5 =	vadd.s32 v2, v5;
	_ =	sdelay $0x4  }
0xd3: {  	[tilespmem:s25], [sflag:$0x3] =	stream.indirect_vreg.gather [hbm4b:s3+s2], $0x80, v5, vm0, $0xb8;
	[tilespmem:$0x18400] =	vst v63  }
0xd4: {  	v4 =	vperm.xlane v4, v3  }
0xd5: {  	[tilespmem:s18], [sflag:$0x3] =	stream.indirect_vreg.gather [hbm4b:s5+s2], $0x80, v5, vm0, $0xb8;
	[tilespmem:$0x18400] =	vst v63  }
0xd6: {  	v4 =	vadd.s32 v2, v4  }
0xd7: {  	[tilespmem:s19], [sflag:$0x3] =	stream.indirect_vreg.gather [hbm4b:s6+s2], $0x80, v5, vm0, $0xb8;
	[tilespmem:$0x18400] =	vst v63  }
0xd8: {  	_ = 	snop  }
0xd9: {  	[tilespmem:s9], [sflag:$0x3] =	stream.indirect_vreg.gather [hbm4b:s7+s2], $0x80, v5, vm0, $0xb8;
	[tilespmem:$0x18400] =	vst v63  }
0xda: {  	s15 =	simm.s32 $0x17C00;
	s13 =	simm.s32 $0xB0;
	s14 =	simm.s32 $0x11400  }
0xdb: {  	[tilespmem:s20], [sflag:$0x3] =	stream.indirect_vreg.gather [hbm4b:s3+s2], $0x80, v4, vm0, $0xb8;
	[tilespmem:$0x18400] =	vst v63  }
0xdc: {  	s24 =	simm.s32 $0x0;
	s16 =	simm.s32 $0x12400;
	s4 =	simm.s32 $0x12C00  }
0xdd: {  	[tilespmem:s26], [sflag:$0x3] =	stream.indirect_vreg.gather [hbm4b:s5+s2], $0x80, v4, vm0, $0xb8;
	[tilespmem:$0x18400] =	vst v63  }
0xde: {  	s17 =	simm.s32 $0x13400;
	s25 =	simm.s32 $0x11C00;
	s18 =	simm.s32 $0x14400  }
0xdf: {  	[tilespmem:s21], [sflag:$0x3] =	stream.indirect_vreg.gather [hbm4b:s6+s2], $0x80, v4, vm0, $0xb8;
	[tilespmem:$0x18400] =	vst v63  }
0xe0: {  	s19 =	simm.s32 $0x14C00;
	s9 =	simm.s32 $0x15400;
	s20 =	simm.s32 $0x15C00  }
0xe1: {  	[tilespmem:s10], [sflag:$0x3] =	stream.indirect_vreg.gather [hbm4b:s7+s2], $0x80, v4, vm0, $0xb8;
	[tilespmem:$0x18400] =	vst v63  }
0xe2: {  	s26 =	simm.s32 $0x13C00;
	s21 =	simm.s32 $0x16C00;
	s10 =	simm.s32 $0x17400  }
.LBB2_2:
0xe3: {  	_ =	swait.ge [sflag:s29], $0x8000  }
0xe4: {  	s8 =	rddreg [dreg:$0x3]  }
0xe5: {  	[sflag:s29] =	ssyncset.done $0x0;
	s8 =	sadd.s32 s24, s8  }
0xe6: {  	[sflag:s29] =	ssyncadd.s32 $0xFFFF8000;
	s0 =	sadd.s32 $0x1000, s8  }
0xe7: {  	[hbm4b:s0+s2] =	stream.linear.scatter [tilespmem:s22], [sflag:$0x5], $0x8000, $0x38;
	[tilespmem:$0x18400] =	vst v63  }
0xe8: {  	_ =	swait.ge [sflag:s11], $0x8000  }
0xe9: {  	[sflag:s11] =	ssyncset.done $0x0  }
0xea: {  	[sflag:s11] =	ssyncadd.s32 $0xFFFF8000  }
0xeb: {  	v4 =	vld [tilespmem:s13+$0xFFFFFFB0];
	_ =	sdelay $0x4  }
0xec: {  	v5 =	vshll.u32 v4, $0x3  }
0xed: {  	v4 =	vand.u32 $0x7, v4;
	v5 =	vand.u32 $0xFFFFFFC0, v5  }
0xee: {  	v4 =	vor.u32 v4, v5  }
0xef: {  	v5 =	vperm.xlane v4, v1;
	_ =	sdelay $0x1  }
0xf0: {  	v5 =	vadd.s32 v2, v5;
	_ =	sdelay $0x3  }
0xf1: {  	s23 =	simm.s32 $0x400  }
0xf2: {  	[tilespmem:s23], [sflag:$0x1] =	stream.indirect_vreg.gather [hbm4b:s3+s2], $0x80, v5, vm0, $0xb8;
	[tilespmem:$0x18400] =	vst v63  }
0xf3: {  	s1 =	simm.s32 $0xC00;
	v4 =	vperm.xlane v4, v3  }
0xf4: {  	[tilespmem:s1], [sflag:$0x1] =	stream.indirect_vreg.gather [hbm4b:s5+s2], $0x80, v5, vm0, $0xb8;
	[tilespmem:$0x18400] =	vst v63  }
0xf5: {  	v4 =	vadd.s32 v2, v4;
	s1 =	simm.s32 $0x1400  }
0xf6: {  	[tilespmem:s1], [sflag:$0x1] =	stream.indirect_vreg.gather [hbm4b:s6+s2], $0x80, v5, vm0, $0xb8;
	[tilespmem:$0x18400] =	vst v63  }
0xf7: {  	s1 =	simm.s32 $0x1C00  }
0xf8: {  	[tilespmem:s1], [sflag:$0x1] =	stream.indirect_vreg.gather [hbm4b:s7+s2], $0x80, v5, vm0, $0xb8;
	[tilespmem:$0x18400] =	vst v63  }
0xf9: {  	s1 =	simm.s32 $0x2400  }
0xfa: {  	[tilespmem:s1], [sflag:$0x1] =	stream.indirect_vreg.gather [hbm4b:s3+s2], $0x80, v4, vm0, $0xb8;
	[tilespmem:$0x18400] =	vst v63  }
0xfb: {  	s1 =	simm.s32 $0x2C00  }
0xfc: {  	[tilespmem:s1], [sflag:$0x1] =	stream.indirect_vreg.gather [hbm4b:s5+s2], $0x80, v4, vm0, $0xb8;
	[tilespmem:$0x18400] =	vst v63  }
0xfd: {  	s1 =	simm.s32 $0x3400  }
0xfe: {  	[tilespmem:s1], [sflag:$0x1] =	stream.indirect_vreg.gather [hbm4b:s6+s2], $0x80, v4, vm0, $0xb8;
	[tilespmem:$0x18400] =	vst v63  }
0xff: {  	s1 =	simm.s32 $0x3C00  }
0x100: {  	[tilespmem:s1], [sflag:$0x1] =	stream.indirect_vreg.gather [hbm4b:s7+s2], $0x80, v4, vm0, $0xb8;
	[tilespmem:$0x18400] =	vst v63  }
0x101: {  	v4 =	vld [tilespmem:s13+$0xFFFFFFC0];
	_ =	sdelay $0x4  }
0x102: {  	v5 =	vshll.u32 v4, $0x3  }
0x103: {  	v4 =	vand.u32 $0x7, v4;
	v5 =	vand.u32 $0xFFFFFFC0, v5  }
0x104: {  	v4 =	vor.u32 v4, v5  }
0x105: {  	v5 =	vperm.xlane v4, v1;
	_ =	sdelay $0x1  }
0x106: {  	v5 =	vadd.s32 v2, v5;
	_ =	sdelay $0x3  }
0x107: {  	s1 =	simm.s32 $0x4400  }
0x108: {  	[tilespmem:s1], [sflag:$0x1] =	stream.indirect_vreg.gather [hbm4b:s3+s2], $0x80, v5, vm0, $0xb8;
	[tilespmem:$0x18400] =	vst v63  }
0x109: {  	v4 =	vperm.xlane v4, v3;
	s1 =	simm.s32 $0x4C00  }
0x10a: {  	[tilespmem:s1], [sflag:$0x1] =	stream.indirect_vreg.gather [hbm4b:s5+s2], $0x80, v5, vm0, $0xb8;
	[tilespmem:$0x18400] =	vst v63  }
0x10b: {  	v4 =	vadd.s32 v2, v4;
	s1 =	simm.s32 $0x5400  }
0x10c: {  	[tilespmem:s1], [sflag:$0x1] =	stream.indirect_vreg.gather [hbm4b:s6+s2], $0x80, v5, vm0, $0xb8;
	[tilespmem:$0x18400] =	vst v63  }
0x10d: {  	s1 =	simm.s32 $0x5C00  }
0x10e: {  	[tilespmem:s1], [sflag:$0x1] =	stream.indirect_vreg.gather [hbm4b:s7+s2], $0x80, v5, vm0, $0xb8;
	[tilespmem:$0x18400] =	vst v63  }
0x10f: {  	s1 =	simm.s32 $0x6400  }
0x110: {  	[tilespmem:s1], [sflag:$0x1] =	stream.indirect_vreg.gather [hbm4b:s3+s2], $0x80, v4, vm0, $0xb8;
	[tilespmem:$0x18400] =	vst v63  }
0x111: {  	s1 =	simm.s32 $0x6C00  }
0x112: {  	[tilespmem:s1], [sflag:$0x1] =	stream.indirect_vreg.gather [hbm4b:s5+s2], $0x80, v4, vm0, $0xb8;
	[tilespmem:$0x18400] =	vst v63  }
0x113: {  	s1 =	simm.s32 $0x7400  }
0x114: {  	[tilespmem:s1], [sflag:$0x1] =	stream.indirect_vreg.gather [hbm4b:s6+s2], $0x80, v4, vm0, $0xb8;
	[tilespmem:$0x18400] =	vst v63  }
0x115: {  	s1 =	simm.s32 $0x7C00  }
0x116: {  	[tilespmem:s1], [sflag:$0x1] =	stream.indirect_vreg.gather [hbm4b:s7+s2], $0x80, v4, vm0, $0xb8;
	[tilespmem:$0x18400] =	vst v63  }
0x117: {  	_ =	swait.ge [sflag:s30], $0x8000  }
0x118: {  	[sflag:s30] =	ssyncset.done $0x0  }
0x119: {  	s0 =	sadd.s32 $0x2000, s8;
	s1 =	simm.s32 $0x10400;
	[sflag:s30] =	ssyncadd.s32 $0xFFFF8000  }
0x11a: {  	[hbm4b:s0+s2] =	stream.linear.scatter [tilespmem:s1], [sflag:$0x6], $0x8000, $0x38;
	[tilespmem:$0x18400] =	vst v63  }
0x11b: {  	_ =	swait.ge [sflag:s12], $0x8000  }
0x11c: {  	[sflag:s12] =	ssyncset.done $0x0  }
0x11d: {  	[sflag:s12] =	ssyncadd.s32 $0xFFFF8000  }
0x11e: {  	v4 =	vld [tilespmem:s13+$0xFFFFFFD0];
	_ =	sdelay $0x4  }
0x11f: {  	v5 =	vshll.u32 v4, $0x3  }
0x120: {  	v4 =	vand.u32 $0x7, v4;
	v5 =	vand.u32 $0xFFFFFFC0, v5  }
0x121: {  	v4 =	vor.u32 v4, v5  }
0x122: {  	v5 =	vperm.xlane v4, v1;
	_ =	sdelay $0x1  }
0x123: {  	v5 =	vadd.s32 v2, v5;
	_ =	sdelay $0x4  }
0x124: {  	[tilespmem:s22], [sflag:$0x2] =	stream.indirect_vreg.gather [hbm4b:s3+s2], $0x80, v5, vm0, $0xb8;
	[tilespmem:$0x18400] =	vst v63  }
0x125: {  	s0 =	simm.s32 $0x8C00;
	v4 =	vperm.xlane v4, v3  }
0x126: {  	[tilespmem:s0], [sflag:$0x2] =	stream.indirect_vreg.gather [hbm4b:s5+s2], $0x80, v5, vm0, $0xb8;
	[tilespmem:$0x18400] =	vst v63  }
0x127: {  	v4 =	vadd.s32 v2, v4;
	s0 =	simm.s32 $0x9400  }
0x128: {  	[tilespmem:s0], [sflag:$0x2] =	stream.indirect_vreg.gather [hbm4b:s6+s2], $0x80, v5, vm0, $0xb8;
	[tilespmem:$0x18400] =	vst v63  }
0x129: {  	s0 =	simm.s32 $0x9C00  }
0x12a: {  	[tilespmem:s0], [sflag:$0x2] =	stream.indirect_vreg.gather [hbm4b:s7+s2], $0x80, v5, vm0, $0xb8;
	[tilespmem:$0x18400] =	vst v63  }
0x12b: {  	s0 =	simm.s32 $0xA400  }
0x12c: {  	[tilespmem:s0], [sflag:$0x2] =	stream.indirect_vreg.gather [hbm4b:s3+s2], $0x80, v4, vm0, $0xb8;
	[tilespmem:$0x18400] =	vst v63  }
0x12d: {  	s0 =	simm.s32 $0xAC00  }
0x12e: {  	[tilespmem:s0], [sflag:$0x2] =	stream.indirect_vreg.gather [hbm4b:s5+s2], $0x80, v4, vm0, $0xb8;
	[tilespmem:$0x18400] =	vst v63  }
0x12f: {  	s0 =	simm.s32 $0xB400  }
0x130: {  	[tilespmem:s0], [sflag:$0x2] =	stream.indirect_vreg.gather [hbm4b:s6+s2], $0x80, v4, vm0, $0xb8;
	[tilespmem:$0x18400] =	vst v63  }
0x131: {  	s0 =	simm.s32 $0xBC00  }
0x132: {  	[tilespmem:s0], [sflag:$0x2] =	stream.indirect_vreg.gather [hbm4b:s7+s2], $0x80, v4, vm0, $0xb8;
	[tilespmem:$0x18400] =	vst v63  }
0x133: {  	v4 =	vld [tilespmem:s13+$0xFFFFFFE0];
	_ =	sdelay $0x4  }
0x134: {  	v5 =	vshll.u32 v4, $0x3  }
0x135: {  	v4 =	vand.u32 $0x7, v4;
	v5 =	vand.u32 $0xFFFFFFC0, v5  }
0x136: {  	v4 =	vor.u32 v4, v5  }
0x137: {  	v5 =	vperm.xlane v4, v1;
	_ =	sdelay $0x1  }
0x138: {  	v5 =	vadd.s32 v2, v5;
	_ =	sdelay $0x3  }
0x139: {  	s0 =	simm.s32 $0xC400  }
0x13a: {  	[tilespmem:s0], [sflag:$0x2] =	stream.indirect_vreg.gather [hbm4b:s3+s2], $0x80, v5, vm0, $0xb8;
	[tilespmem:$0x18400] =	vst v63  }
0x13b: {  	v4 =	vperm.xlane v4, v3;
	s0 =	simm.s32 $0xCC00  }
0x13c: {  	[tilespmem:s0], [sflag:$0x2] =	stream.indirect_vreg.gather [hbm4b:s5+s2], $0x80, v5, vm0, $0xb8;
	[tilespmem:$0x18400] =	vst v63  }
0x13d: {  	v4 =	vadd.s32 v2, v4;
	s0 =	simm.s32 $0xD400  }
0x13e: {  	[tilespmem:s0], [sflag:$0x2] =	stream.indirect_vreg.gather [hbm4b:s6+s2], $0x80, v5, vm0, $0xb8;
	[tilespmem:$0x18400] =	vst v63  }
0x13f: {  	s0 =	simm.s32 $0xDC00  }
0x140: {  	[tilespmem:s0], [sflag:$0x2] =	stream.indirect_vreg.gather [hbm4b:s7+s2], $0x80, v5, vm0, $0xb8;
	[tilespmem:$0x18400] =	vst v63  }
0x141: {  	s0 =	simm.s32 $0xE400  }
0x142: {  	[tilespmem:s0], [sflag:$0x2] =	stream.indirect_vreg.gather [hbm4b:s3+s2], $0x80, v4, vm0, $0xb8;
	[tilespmem:$0x18400] =	vst v63  }
0x143: {  	s0 =	simm.s32 $0xEC00  }
0x144: {  	[tilespmem:s0], [sflag:$0x2] =	stream.indirect_vreg.gather [hbm4b:s5+s2], $0x80, v4, vm0, $0xb8;
	[tilespmem:$0x18400] =	vst v63  }
0x145: {  	s0 =	simm.s32 $0xF400  }
0x146: {  	[tilespmem:s0], [sflag:$0x2] =	stream.indirect_vreg.gather [hbm4b:s6+s2], $0x80, v4, vm0, $0xb8;
	[tilespmem:$0x18400] =	vst v63  }
0x147: {  	s0 =	simm.s32 $0xFC00  }
0x148: {  	[tilespmem:s0], [sflag:$0x2] =	stream.indirect_vreg.gather [hbm4b:s7+s2], $0x80, v4, vm0, $0xb8;
	[tilespmem:$0x18400] =	vst v63  }
0x149: {  	s0 =	simm.s32 $0x1  }
0x14a: {  	_ =	swait.ge [sflag:s0], $0x8000  }
0x14b: {  	[sflag:s0] =	ssyncset.done $0x0  }
0x14c: {  	[sflag:s0] =	ssyncadd.s32 $0xFFFF8000;
	s0 =	sadd.s32 $0x3000, s8  }
0x14d: {  	[hbm4b:s0+s2] =	stream.linear.scatter [tilespmem:s23], [sflag:$0x4], $0x8000, $0x38;
	[tilespmem:$0x18400] =	vst v63  }
0x14e: {  	_ =	swait.ge [sflag:s31], $0x8000  }
0x14f: {  	[sflag:s31] =	ssyncset.done $0x0  }
0x150: {  	[sflag:s31] =	ssyncadd.s32 $0xFFFF8000  }
0x151: {  	v4 =	vld [tilespmem:s13+$0xFFFFFFF0];
	_ =	sdelay $0x4  }
0x152: {  	v5 =	vshll.u32 v4, $0x3  }
0x153: {  	v4 =	vand.u32 $0x7, v4;
	v5 =	vand.u32 $0xFFFFFFC0, v5  }
0x154: {  	v4 =	vor.u32 v4, v5  }
0x155: {  	v5 =	vperm.xlane v4, v1;
	_ =	sdelay $0x1  }
0x156: {  	v5 =	vadd.s32 v2, v5;
	_ =	sdelay $0x4  }
0x157: {  	[tilespmem:s1], [sflag:$0x3] =	stream.indirect_vreg.gather [hbm4b:s3+s2], $0x80, v5, vm0, $0xb8;
	[tilespmem:$0x18400] =	vst v63  }
0x158: {  	s8 =	simm.s32 $0x10C00;
	v4 =	vperm.xlane v4, v3  }
0x159: {  	[tilespmem:s8], [sflag:$0x3] =	stream.indirect_vreg.gather [hbm4b:s5+s2], $0x80, v5, vm0, $0xb8;
	[tilespmem:$0x18400] =	vst v63  }
0x15a: {  	v4 =	vadd.s32 v2, v4  }
0x15b: {  	[tilespmem:s14], [sflag:$0x3] =	stream.indirect_vreg.gather [hbm4b:s6+s2], $0x80, v5, vm0, $0xb8;
	[tilespmem:$0x18400] =	vst v63  }
0x15c: {  	_ = 	snop  }
0x15d: {  	[tilespmem:s25], [sflag:$0x3] =	stream.indirect_vreg.gather [hbm4b:s7+s2], $0x80, v5, vm0, $0xb8;
	[tilespmem:$0x18400] =	vst v63  }
0x15e: {  	_ = 	snop  }
0x15f: {  	[tilespmem:s16], [sflag:$0x3] =	stream.indirect_vreg.gather [hbm4b:s3+s2], $0x80, v4, vm0, $0xb8;
	[tilespmem:$0x18400] =	vst v63  }
0x160: {  	_ = 	snop  }
0x161: {  	[tilespmem:s4], [sflag:$0x3] =	stream.indirect_vreg.gather [hbm4b:s5+s2], $0x80, v4, vm0, $0xb8;
	[tilespmem:$0x18400] =	vst v63  }
0x162: {  	_ = 	snop  }
0x163: {  	[tilespmem:s17], [sflag:$0x3] =	stream.indirect_vreg.gather [hbm4b:s6+s2], $0x80, v4, vm0, $0xb8;
	[tilespmem:$0x18400] =	vst v63  }
0x164: {  	_ = 	snop  }
0x165: {  	[tilespmem:s26], [sflag:$0x3] =	stream.indirect_vreg.gather [hbm4b:s7+s2], $0x80, v4, vm0, $0xb8;
	[tilespmem:$0x18400] =	vst v63  }
0x166: {  	v4 =	vld [tilespmem:s13+$0x0];
	_ =	sdelay $0x4  }
0x167: {  	v5 =	vshll.u32 v4, $0x3  }
0x168: {  	v4 =	vand.u32 $0x7, v4;
	v5 =	vand.u32 $0xFFFFFFC0, v5  }
0x169: {  	v4 =	vor.u32 v4, v5  }
0x16a: {  	v5 =	vperm.xlane v4, v1;
	_ =	sdelay $0x1  }
0x16b: {  	v5 =	vadd.s32 v2, v5;
	_ =	sdelay $0x4  }
0x16c: {  	[tilespmem:s18], [sflag:$0x3] =	stream.indirect_vreg.gather [hbm4b:s3+s2], $0x80, v5, vm0, $0xb8;
	[tilespmem:$0x18400] =	vst v63  }
0x16d: {  	v4 =	vperm.xlane v4, v3  }
0x16e: {  	[tilespmem:s19], [sflag:$0x3] =	stream.indirect_vreg.gather [hbm4b:s5+s2], $0x80, v5, vm0, $0xb8;
	[tilespmem:$0x18400] =	vst v63  }
0x16f: {  	v4 =	vadd.s32 v2, v4  }
0x170: {  	[tilespmem:s9], [sflag:$0x3] =	stream.indirect_vreg.gather [hbm4b:s6+s2], $0x80, v5, vm0, $0xb8;
	[tilespmem:$0x18400] =	vst v63  }
0x171: {  	_ = 	snop  }
0x172: {  	[tilespmem:s20], [sflag:$0x3] =	stream.indirect_vreg.gather [hbm4b:s7+s2], $0x80, v5, vm0, $0xb8;
	[tilespmem:$0x18400] =	vst v63  }
0x173: {  	_ = 	snop  }
0x174: {  	[tilespmem:s28], [sflag:$0x3] =	stream.indirect_vreg.gather [hbm4b:s3+s2], $0x80, v4, vm0, $0xb8;
	[tilespmem:$0x18400] =	vst v63  }
0x175: {  	p0 =	sne.s32 s24, $0x18000  }
0x176: {  	[tilespmem:s21], [sflag:$0x3] =	stream.indirect_vreg.gather [hbm4b:s5+s2], $0x80, v4, vm0, $0xb8;
	[tilespmem:$0x18400] =	vst v63  }
.Ltmp0:
0x177: {  	_ = 	snop;
	(pc) =	sbr.rel @p0 .LBB2_2-.Ltmp0, $4  }
0x178: {  	_ = 	snop  }
0x179: {  	[tilespmem:s10], [sflag:$0x3] =	stream.indirect_vreg.gather [hbm4b:s6+s2], $0x80, v4, vm0, $0xb8;
	[tilespmem:$0x18400] =	vst v63  }
0x17a: {  	s24 =	sadd.s32 $0x3000, s24;
	s23 =	simm.s32 $0x10400;
	s13 =	sadd.s32 $0x60, s13  }
0x17b: {  	[tilespmem:s15], [sflag:$0x3] =	stream.indirect_vreg.gather [hbm4b:s7+s2], $0x80, v4, vm0, $0xb8;
	[tilespmem:$0x18400] =	vst v63  }
0x17c: {  	_ =	swait.ge [sflag:s29], $0x8000  }
0x17d: {  	[sflag:s29] =	ssyncset.done $0x0  }
0x17e: {  	s9 =	simm.s32 $0x8400;
	s0 =	rddreg [dreg:$0x6];
	[sflag:s29] =	ssyncadd.s32 $0xFFFF8000  }
0x17f: {  	[hbm4b:s0+s2] =	stream.linear.scatter [tilespmem:s9], [sflag:$0x5], $0x8000, $0x38;
	[tilespmem:$0x18400] =	vst v63  }
0x180: {  	_ =	swait.ge [sflag:s11], $0x8000  }
0x181: {  	[sflag:s11] =	ssyncset.done $0x0  }
0x182: {  	[sflag:s11] =	ssyncadd.s32 $0xFFFF8000  }
0x183: {  	v4 =	vld [tilespmem:$0x3C0];
	_ =	sdelay $0x4  }
0x184: {  	v5 =	vshll.u32 v4, $0x3  }
0x185: {  	v4 =	vand.u32 $0x7, v4;
	v5 =	vand.u32 $0xFFFFFFC0, v5  }
0x186: {  	v4 =	vor.u32 v4, v5  }
0x187: {  	v5 =	vperm.xlane v4, v1;
	_ =	sdelay $0x1  }
0x188: {  	v5 =	vadd.s32 v2, v5;
	_ =	sdelay $0x3  }
0x189: {  	s4 =	simm.s32 $0x400  }
0x18a: {  	[tilespmem:s4], [sflag:$0x1] =	stream.indirect_vreg.gather [hbm4b:s3+s2], $0x80, v5, vm0, $0xb8;
	[tilespmem:$0x18400] =	vst v63  }
0x18b: {  	s18 =	simm.s32 $0xC00;
	v4 =	vperm.xlane v4, v3  }
0x18c: {  	[tilespmem:s18], [sflag:$0x1] =	stream.indirect_vreg.gather [hbm4b:s5+s2], $0x80, v5, vm0, $0xb8;
	[tilespmem:$0x18400] =	vst v63  }
0x18d: {  	s19 =	simm.s32 $0x1400;
	v4 =	vadd.s32 v2, v4  }
0x18e: {  	[tilespmem:s19], [sflag:$0x1] =	stream.indirect_vreg.gather [hbm4b:s6+s2], $0x80, v5, vm0, $0xb8;
	[tilespmem:$0x18400] =	vst v63  }
0x18f: {  	s20 =	simm.s32 $0x1C00  }
0x190: {  	[tilespmem:s20], [sflag:$0x1] =	stream.indirect_vreg.gather [hbm4b:s7+s2], $0x80, v5, vm0, $0xb8;
	[tilespmem:$0x18400] =	vst v63  }
0x191: {  	s21 =	simm.s32 $0x2400  }
0x192: {  	[tilespmem:s21], [sflag:$0x1] =	stream.indirect_vreg.gather [hbm4b:s3+s2], $0x80, v4, vm0, $0xb8;
	[tilespmem:$0x18400] =	vst v63  }
0x193: {  	s24 =	simm.s32 $0x2C00  }
0x194: {  	[tilespmem:s24], [sflag:$0x1] =	stream.indirect_vreg.gather [hbm4b:s5+s2], $0x80, v4, vm0, $0xb8;
	[tilespmem:$0x18400] =	vst v63  }
0x195: {  	s25 =	simm.s32 $0x3400  }
0x196: {  	[tilespmem:s25], [sflag:$0x1] =	stream.indirect_vreg.gather [hbm4b:s6+s2], $0x80, v4, vm0, $0xb8;
	[tilespmem:$0x18400] =	vst v63  }
0x197: {  	s26 =	simm.s32 $0x3C00  }
0x198: {  	[tilespmem:s26], [sflag:$0x1] =	stream.indirect_vreg.gather [hbm4b:s7+s2], $0x80, v4, vm0, $0xb8;
	[tilespmem:$0x18400] =	vst v63  }
0x199: {  	v4 =	vld [tilespmem:$0x3D0];
	_ =	sdelay $0x4  }
0x19a: {  	v5 =	vshll.u32 v4, $0x3  }
0x19b: {  	v4 =	vand.u32 $0x7, v4;
	v5 =	vand.u32 $0xFFFFFFC0, v5  }
0x19c: {  	v4 =	vor.u32 v4, v5  }
0x19d: {  	v5 =	vperm.xlane v4, v1;
	_ =	sdelay $0x1  }
0x19e: {  	v5 =	vadd.s32 v2, v5;
	_ =	sdelay $0x3  }
0x19f: {  	s1 =	simm.s32 $0x4400  }
0x1a0: {  	[tilespmem:s1], [sflag:$0x1] =	stream.indirect_vreg.gather [hbm4b:s3+s2], $0x80, v5, vm0, $0xb8;
	[tilespmem:$0x18400] =	vst v63  }
0x1a1: {  	s10 =	simm.s32 $0x4C00;
	v4 =	vperm.xlane v4, v3  }
0x1a2: {  	[tilespmem:s10], [sflag:$0x1] =	stream.indirect_vreg.gather [hbm4b:s5+s2], $0x80, v5, vm0, $0xb8;
	[tilespmem:$0x18400] =	vst v63  }
0x1a3: {  	s13 =	simm.s32 $0x5400;
	v4 =	vadd.s32 v2, v4  }
0x1a4: {  	[tilespmem:s13], [sflag:$0x1] =	stream.indirect_vreg.gather [hbm4b:s6+s2], $0x80, v5, vm0, $0xb8;
	[tilespmem:$0x18400] =	vst v63  }
0x1a5: {  	s14 =	simm.s32 $0x5C00  }
0x1a6: {  	[tilespmem:s14], [sflag:$0x1] =	stream.indirect_vreg.gather [hbm4b:s7+s2], $0x80, v5, vm0, $0xb8;
	[tilespmem:$0x18400] =	vst v63  }
0x1a7: {  	s15 =	simm.s32 $0x6400  }
0x1a8: {  	[tilespmem:s15], [sflag:$0x1] =	stream.indirect_vreg.gather [hbm4b:s3+s2], $0x80, v4, vm0, $0xb8;
	[tilespmem:$0x18400] =	vst v63  }
0x1a9: {  	s16 =	simm.s32 $0x6C00  }
0x1aa: {  	[tilespmem:s16], [sflag:$0x1] =	stream.indirect_vreg.gather [hbm4b:s5+s2], $0x80, v4, vm0, $0xb8;
	[tilespmem:$0x18400] =	vst v63  }
0x1ab: {  	s17 =	simm.s32 $0x7400  }
0x1ac: {  	[tilespmem:s17], [sflag:$0x1] =	stream.indirect_vreg.gather [hbm4b:s6+s2], $0x80, v4, vm0, $0xb8;
	[tilespmem:$0x18400] =	vst v63  }
0x1ad: {  	s18 =	simm.s32 $0x7C00  }
0x1ae: {  	[tilespmem:s18], [sflag:$0x1] =	stream.indirect_vreg.gather [hbm4b:s7+s2], $0x80, v4, vm0, $0xb8;
	[tilespmem:$0x18400] =	vst v63  }
0x1af: {  	_ =	swait.ge [sflag:s30], $0x8000  }
0x1b0: {  	[sflag:s30] =	ssyncset.done $0x0  }
0x1b1: {  	s19 =	rddreg [dreg:$0x7];
	[sflag:s30] =	ssyncadd.s32 $0xFFFF8000  }
0x1b2: {  	[hbm4b:s19+s2] =	stream.linear.scatter [tilespmem:s23], [sflag:$0x6], $0x8000, $0x38;
	[tilespmem:$0x18400] =	vst v63  }
0x1b3: {  	_ =	swait.ge [sflag:s12], $0x8000  }
0x1b4: {  	[sflag:s12] =	ssyncset.done $0x0  }
0x1b5: {  	[sflag:s12] =	ssyncadd.s32 $0xFFFF8000  }
0x1b6: {  	v4 =	vld [tilespmem:$0x3E0];
	_ =	sdelay $0x4  }
0x1b7: {  	v5 =	vshll.u32 v4, $0x3  }
0x1b8: {  	v4 =	vand.u32 $0x7, v4;
	v5 =	vand.u32 $0xFFFFFFC0, v5  }
0x1b9: {  	v4 =	vor.u32 v4, v5  }
0x1ba: {  	v5 =	vperm.xlane v4, v1;
	_ =	sdelay $0x1  }
0x1bb: {  	v5 =	vadd.s32 v2, v5;
	_ =	sdelay $0x4  }
0x1bc: {  	[tilespmem:s9], [sflag:$0x2] =	stream.indirect_vreg.gather [hbm4b:s3+s2], $0x80, v5, vm0, $0xb8;
	[tilespmem:$0x18400] =	vst v63  }
0x1bd: {  	s20 =	simm.s32 $0x8C00;
	v4 =	vperm.xlane v4, v3  }
0x1be: {  	[tilespmem:s20], [sflag:$0x2] =	stream.indirect_vreg.gather [hbm4b:s5+s2], $0x80, v5, vm0, $0xb8;
	[tilespmem:$0x18400] =	vst v63  }
0x1bf: {  	s21 =	simm.s32 $0x9400;
	v4 =	vadd.s32 v2, v4  }
0x1c0: {  	[tilespmem:s21], [sflag:$0x2] =	stream.indirect_vreg.gather [hbm4b:s6+s2], $0x80, v5, vm0, $0xb8;
	[tilespmem:$0x18400] =	vst v63  }
0x1c1: {  	s24 =	simm.s32 $0x9C00  }
0x1c2: {  	[tilespmem:s24], [sflag:$0x2] =	stream.indirect_vreg.gather [hbm4b:s7+s2], $0x80, v5, vm0, $0xb8;
	[tilespmem:$0x18400] =	vst v63  }
0x1c3: {  	s25 =	simm.s32 $0xA400  }
0x1c4: {  	[tilespmem:s25], [sflag:$0x2] =	stream.indirect_vreg.gather [hbm4b:s3+s2], $0x80, v4, vm0, $0xb8;
	[tilespmem:$0x18400] =	vst v63  }
0x1c5: {  	s26 =	simm.s32 $0xAC00  }
0x1c6: {  	[tilespmem:s26], [sflag:$0x2] =	stream.indirect_vreg.gather [hbm4b:s5+s2], $0x80, v4, vm0, $0xb8;
	[tilespmem:$0x18400] =	vst v63  }
0x1c7: {  	s1 =	simm.s32 $0xB400  }
0x1c8: {  	[tilespmem:s1], [sflag:$0x2] =	stream.indirect_vreg.gather [hbm4b:s6+s2], $0x80, v4, vm0, $0xb8;
	[tilespmem:$0x18400] =	vst v63  }
0x1c9: {  	s10 =	simm.s32 $0xBC00  }
0x1ca: {  	[tilespmem:s10], [sflag:$0x2] =	stream.indirect_vreg.gather [hbm4b:s7+s2], $0x80, v4, vm0, $0xb8;
	[tilespmem:$0x18400] =	vst v63  }
0x1cb: {  	v4 =	vld [tilespmem:$0x3F0];
	_ =	sdelay $0x4  }
0x1cc: {  	v5 =	vshll.u32 v4, $0x3  }
0x1cd: {  	v4 =	vand.u32 $0x7, v4;
	v5 =	vand.u32 $0xFFFFFFC0, v5  }
0x1ce: {  	v4 =	vor.u32 v4, v5  }
0x1cf: {  	v5 =	vperm.xlane v4, v1;
	_ =	sdelay $0x1  }
0x1d0: {  	v5 =	vadd.s32 v2, v5;
	_ =	sdelay $0x3  }
0x1d1: {  	s13 =	simm.s32 $0xC400  }
0x1d2: {  	[tilespmem:s13], [sflag:$0x2] =	stream.indirect_vreg.gather [hbm4b:s3+s2], $0x80, v5, vm0, $0xb8;
	[tilespmem:$0x18400] =	vst v63  }
0x1d3: {  	s14 =	simm.s32 $0xCC00;
	v4 =	vperm.xlane v4, v3  }
0x1d4: {  	[tilespmem:s14], [sflag:$0x2] =	stream.indirect_vreg.gather [hbm4b:s5+s2], $0x80, v5, vm0, $0xb8;
	[tilespmem:$0x18400] =	vst v63  }
0x1d5: {  	s15 =	simm.s32 $0xD400;
	v4 =	vadd.s32 v2, v4  }
0x1d6: {  	[tilespmem:s15], [sflag:$0x2] =	stream.indirect_vreg.gather [hbm4b:s6+s2], $0x80, v5, vm0, $0xb8;
	[tilespmem:$0x18400] =	vst v63  }
0x1d7: {  	s16 =	simm.s32 $0xDC00  }
0x1d8: {  	[tilespmem:s16], [sflag:$0x2] =	stream.indirect_vreg.gather [hbm4b:s7+s2], $0x80, v5, vm0, $0xb8;
	[tilespmem:$0x18400] =	vst v63  }
0x1d9: {  	s17 =	simm.s32 $0xE400  }
0x1da: {  	[tilespmem:s17], [sflag:$0x2] =	stream.indirect_vreg.gather [hbm4b:s3+s2], $0x80, v4, vm0, $0xb8;
	[tilespmem:$0x18400] =	vst v63  }
0x1db: {  	s18 =	simm.s32 $0xEC00  }
0x1dc: {  	[tilespmem:s18], [sflag:$0x2] =	stream.indirect_vreg.gather [hbm4b:s5+s2], $0x80, v4, vm0, $0xb8;
	[tilespmem:$0x18400] =	vst v63  }
0x1dd: {  	s19 =	simm.s32 $0xF400  }
0x1de: {  	[tilespmem:s19], [sflag:$0x2] =	stream.indirect_vreg.gather [hbm4b:s6+s2], $0x80, v4, vm0, $0xb8;
	[tilespmem:$0x18400] =	vst v63  }
0x1df: {  	s20 =	simm.s32 $0xFC00;
	s21 =	simm.s32 $0x1  }
0x1e0: {  	[tilespmem:s20], [sflag:$0x2] =	stream.indirect_vreg.gather [hbm4b:s7+s2], $0x80, v4, vm0, $0xb8;
	[tilespmem:$0x18400] =	vst v63  }
0x1e1: {  	_ =	swait.ge [sflag:s21], $0x8000  }
0x1e2: {  	[sflag:s21] =	ssyncset.done $0x0  }
0x1e3: {  	s24 =	rddreg [dreg:$0x8];
	[sflag:s21] =	ssyncadd.s32 $0xFFFF8000  }
0x1e4: {  	[hbm4b:s24+s2] =	stream.linear.scatter [tilespmem:s4], [sflag:$0x4], $0x8000, $0x38;
	[tilespmem:$0x18400] =	vst v63  }
0x1e5: {  	_ =	swait.ge [sflag:s29], $0x8000  }
0x1e6: {  	[sflag:s29] =	ssyncset.done $0x0  }
0x1e7: {  	s25 =	rddreg [dreg:$0x9];
	[sflag:s29] =	ssyncadd.s32 $0xFFFF8000  }
0x1e8: {  	[hbm4b:s25+s2] =	stream.linear.scatter [tilespmem:s9], [sflag:$0x5], $0x8000, $0x38;
	[tilespmem:$0x18400] =	vst v63  }
0x1e9: {  	_ =	swait.ge [sflag:s31], $0x8000  }
0x1ea: {  	[sflag:s31] =	ssyncset.done $0x0  }
0x1eb: {  	[sflag:s31] =	ssyncadd.s32 $0xFFFF8000  }
0x1ec: {  	_ =	swait.ge [sflag:s11], $0x8000  }
0x1ed: {  	[sflag:s11] =	ssyncset.done $0x0  }
0x1ee: {  	[sflag:s11] =	ssyncadd.s32 $0xFFFF8000  }
0x1ef: {  	_ =	swait.ge [sflag:s12], $0x8000  }
0x1f0: {  	s15 =	rddreg [dreg:$0xb]  }
0x1f1: {  	s1 =	simm.s32 $0x8400;
	s26 =	rddreg [dreg:$0xa];
	s15 =	sadd.s32 $0x1, s15  }
0x1f2: {  	s10 =	simm.s32 $0x17C00;
	s13 =	simm.s32 $0x11400;
	p0 =	sne.s32 s15, s26  }
.Ltmp1:
0x1f3: {  	s14 =	simm.s32 $0x11C00;
	s16 =	simm.s32 $0x12C00;
	(pc) =	sbr.rel @p0 .LBB2_1-.Ltmp1, $4  }
0x1f4: {  	s17 =	simm.s32 $0x13C00;
	s18 =	simm.s32 $0x14C00;
	s19 =	simm.s32 $0x15400  }
0x1f5: {  	s20 =	simm.s32 $0x16400;
	s21 =	simm.s32 $0x17400;
	s24 =	simm.s32 $0x12400  }
0x1f6: {  	s4 =	simm.s32 $0x13400;
	s25 =	simm.s32 $0x14400;
	[sflag:s12] =	ssyncset.done $0x0  }
0x1f7: {  	s9 =	simm.s32 $0x15C00;
	[sflag:s12] =	ssyncadd.s32 $0xFFFF8000;
	s26 =	simm.s32 $0x16C00  }
0x1f8: {  	_ =	sfence.sel $0x180000  }
0x1f9: {  	[bflag:$0x0] =	sbarrier.arrive $0xFFFF  }
0x1fa: {  	_ =	strace $0x90000047  }
0x1fb: {  	s0 =	stileid.u32;
	[bflag:$0x2] =	sbarrier.arrive $0xFFFF  }
0x1fc: {  	p0 =	sne.s32 s0, $0x0;
	s0 =	rddreg [dreg:$0x2]  }
0x1fd: {  	s0 =	sadd.s32 @!p0 $0x100000, s0  }
0x1fe: {  	[sflag:s0] =	ssyncadd.tile.s32 @!p0 $0x1;
	_ =	shalt  }
.Lfunc_end2:
_tile_overlayer_lowered:
.L_overlay_start_2:
0x1ff: {  	(tag) =	ssettag $0x2  }
0x200: {  	s0 =	rddreg [dreg:$0x0];
	s2 =	stileid.u32  }
0x201: {  	s1 =	rddreg [dreg:$0x1];
	p0 =	sne.s32 s2, $0x0  }
0x202: {  	s3 =	rddreg [dreg:$0x2];
	[bflag:$0x3] =	sbarrier.arrive $0xFFFF;
	s2 =	simm.s32 @!p0 $0x1C07  }
0x203: {  	[timem:s3], [sflag:s2] =	dma.local @!p0 [hbm:s0], s1  }
0x204: {  	s0 =	simm.s32 @!p0 $0x7  }
0x205: {  	_ =	swait.ge @!p0 [sflag:s0], s1  }
0x206: {  	s1 =	ssub.s32 @!p0 $0x0, s1;
	[sflag:s0] =	ssyncset.done @!p0 $0x0  }
0x207: {  	[sflag:s0] =	ssyncadd.s32 @!p0 s1  }
0x208: {  	[bflag:$0x3] =	sbarrier.arrive $0xFFFF  }
0x209: {  	_ =	shalt  }

</sc_bundles>
